<compile_context>
chip_gen: v7x
topology: tpu7x:2x2x1
jax: 0.10.2.dev20260603
libtpu: 0.0.44.dev20260713+nightly
codegen_flags: <defaults>
</compile_context>

<pallas_src>
import math

import jax
import jax.numpy as jnp
from jax import lax
from jax.experimental import pallas as pl
from jax.experimental.pallas import tpu as pltpu
from jax.experimental.pallas import tpu_sc as plsc

VOCAB = 1000000
DIM = 64
ROWS = 4096
COLS = 200
B = ROWS * COLS
SCALE = math.sqrt(DIM)

NC = 2
NS = 16
NW = NC * NS

B_PER_W = B // NW
CHUNK = 200
N_CHUNKS = B_PER_W // CHUNK
NBUF = 4

def _gather_kernel(wide_hbm, idx_hbm, out_hbm, idx_v, buf0, buf1, buf2,
                   buf3, sem0, sem1, sem2, sem3, wsem0, wsem1, wsem2,
                   wsem3):
    wid = lax.axis_index("s") * NC + lax.axis_index("c")
    base = wid * B_PER_W
    pltpu.sync_copy(idx_hbm.at[pl.ds(base, B_PER_W)], idx_v)

    bufs = (buf0, buf1, buf2, buf3)
    gsems = (sem0, sem1, sem2, sem3)
    wsems = (wsem0, wsem1, wsem2, wsem3)

    def gather(k, b):
        pltpu.make_async_copy(
            wide_hbm.at[idx_v.at[pl.ds(k * CHUNK, CHUNK)]], bufs[b],
            gsems[b],
        ).start()

    def gather_wait(k, b):
        pltpu.make_async_copy(
            wide_hbm.at[idx_v.at[pl.ds(k * CHUNK, CHUNK)]], bufs[b],
            gsems[b],
        ).wait()

    def scale(b):
        buf = bufs[b]

        @plsc.parallel_loop(0, CHUNK, unroll=4)
        def _(r):
            for u in range(DIM // 16):
                sl = pl.ds(u * 16, 16)
                buf[r, sl] = buf[r, sl] * SCALE

    def write(k, b):
        pltpu.make_async_copy(
            bufs[b], out_hbm.at[pl.ds(base + k * CHUNK, CHUNK)], wsems[b]
        ).start()

    def write_wait(k, b):
        pltpu.make_async_copy(
            bufs[b], out_hbm.at[pl.ds(base + k * CHUNK, CHUNK)], wsems[b]
        ).wait()

    for p in range(NBUF - 1):
        gather(p, p)

    def body(g, _):
        for b in range(NBUF):
            k = NBUF * g + b
            gather_wait(k, b)
            nb = (b + NBUF - 1) % NBUF

            @pl.when(k + NBUF - 1 < N_CHUNKS)
            def _():
                @pl.when(k >= 1)
                def _():
                    write_wait(k - 1, nb)

                gather(k + NBUF - 1, nb)

            scale(b)
            write(k, b)
        return 0

    lax.fori_loop(0, N_CHUNKS // NBUF, body, 0)
    for k in range(N_CHUNKS - NBUF, N_CHUNKS):
        write_wait(k, k % NBUF)


@jax.jit
def _emb_call(idx_flat, table):
    wide = jnp.pad(table, ((0, 0), (0, 128 - DIM)))
    mesh = plsc.VectorSubcoreMesh(core_axis_name="c", subcore_axis_name="s")
    gather = pl.kernel(
        _gather_kernel,
        out_type=jax.ShapeDtypeStruct((B, 128), jnp.float32),
        mesh=mesh,
        scratch_types=[
            pltpu.VMEM((B_PER_W,), jnp.int32),
            pltpu.VMEM((CHUNK, 128), jnp.float32),
            pltpu.VMEM((CHUNK, 128), jnp.float32),
            pltpu.VMEM((CHUNK, 128), jnp.float32),
            pltpu.VMEM((CHUNK, 128), jnp.float32),
            pltpu.SemaphoreType.DMA,
            pltpu.SemaphoreType.DMA,
            pltpu.SemaphoreType.DMA,
            pltpu.SemaphoreType.DMA,
            pltpu.SemaphoreType.DMA,
            pltpu.SemaphoreType.DMA,
            pltpu.SemaphoreType.DMA,
            pltpu.SemaphoreType.DMA,
        ],
    )
    o2 = gather(wide, idx_flat)
    return o2[:, :DIM].reshape(ROWS, COLS, DIM)


def kernel(token_ids, table):
    idx_flat = token_ids.reshape(-1).astype(jnp.int32)
    return _emb_call(idx_flat, table)

# --- scband reference (transcript-rebuilt; emitter-appended) ---
"""Pipeline reference for scband-token-embedding-31430570672407 (READ-ONLY COPY).

The authoritative reference and input builder live on the scoring server;
editing this copy changes nothing except your own understanding.
"""

import jax, jax.numpy as jnp
import numpy as np
import math

VOCAB = 1000000
DIM = 64
PAD_IDX = 0

def setup_inputs(seed: int = 0) -> dict:
    key = jax.random.key(seed)
    k_idx, k_tab = jax.random.split(key)
    token_ids = jax.random.randint(k_idx, (4096, 200), 0, VOCAB, dtype=jnp.int64)
    # GPT-2 style init: normal(0, 0.02), padding row zeroed
    table = jax.random.normal(k_tab, (VOCAB, DIM), dtype=jnp.float32) * 0.02
    table = table.at[PAD_IDX].set(0.0)
    return {"token_ids": token_ids, "table": table}

def reference(token_ids, table):
    # embedding lookup (gather) followed by sqrt(d) scaling, as in GPT-2/3
    emb = jnp.take(table, token_ids, axis=0)
    return emb * math.sqrt(DIM)

if __name__ == "__main__":
    import jax
    _d = setup_inputs()
    print(jax.jit(kernel)(*tuple(_d.values())))

</pallas_src>

<mosaic_0001>
#map = affine_map<(d0, d1) -> (0, 0)>
#map1 = affine_map<(d0, d1) -> (0)>
module attributes {stable_mosaic.version = 14 : i64} {
  func.func @_gather_kernel(%arg0: i32, %arg1: i32, %arg2: memref<1000000x128xf32, #tpu.memory_space<hbm>>, %arg3: memref<819200xi32, #tpu.memory_space<hbm>>, %arg4: memref<819200x128xf32, #tpu.memory_space<hbm>>, %arg5: memref<25600xi32, #tpu.memory_space<vmem>>, %arg6: memref<200x128xf32, #tpu.memory_space<vmem>>, %arg7: memref<200x128xf32, #tpu.memory_space<vmem>>, %arg8: memref<200x128xf32, #tpu.memory_space<vmem>>, %arg9: memref<200x128xf32, #tpu.memory_space<vmem>>, %arg10: memref<!tpu.dma_semaphore, #tpu.memory_space<semaphore_mem>>, %arg11: memref<!tpu.dma_semaphore, #tpu.memory_space<semaphore_mem>>, %arg12: memref<!tpu.dma_semaphore, #tpu.memory_space<semaphore_mem>>, %arg13: memref<!tpu.dma_semaphore, #tpu.memory_space<semaphore_mem>>, %arg14: memref<!tpu.dma_semaphore, #tpu.memory_space<semaphore_mem>>, %arg15: memref<!tpu.dma_semaphore, #tpu.memory_space<semaphore_mem>>, %arg16: memref<!tpu.dma_semaphore, #tpu.memory_space<semaphore_mem>>, %arg17: memref<!tpu.dma_semaphore, #tpu.memory_space<semaphore_mem>>) attributes {dimension_semantics = [#tpu.dimension_semantics<core_parallel>, #tpu.dimension_semantics<subcore_parallel>], iteration_bounds = array<i64: 2, 16>, scalar_prefetch = 0 : i64, scratch_operands = 13 : i64, tpu.core_type = #tpu.core_type<sc_vector_subcore>, window_params = [{transform_indices = #map}, {transform_indices = #map1}, {transform_indices = #map}]} {
    %mul3A = arith.constant 2 : i32
    %mul3A_0 = arith.muli %arg1, %mul3A : i32
    %add3A = arith.addi %mul3A_0, %arg0 : i32
    %mul3A_1 = arith.constant 25600 : i32
    %mul3A_2 = arith.muli %add3A, %mul3A_1 : i32
    "tpu.region"() ({
      %run_scoped3A = tpu.sem_alloc : memref<!tpu.dma_semaphore, #tpu.memory_space<semaphore_mem>>
      %dma_start3A_46 = tpu.memref_slice %arg3[%mul3A_2] : memref<819200xi32, #tpu.memory_space<hbm>> -> memref<25600xi32, #tpu.memory_space<hbm>>
      %dma_start3A_47 = tpu.memref_slice %arg3[%mul3A_2] : memref<819200xi32, #tpu.memory_space<hbm>> -> memref<25600xi32, #tpu.memory_space<hbm>>
      tpu.enqueue_dma source(%dma_start3A_47 : memref<25600xi32, #tpu.memory_space<hbm>>) target(%arg5 : memref<25600xi32, #tpu.memory_space<vmem>>) target_semaphore(%run_scoped3A : memref<!tpu.dma_semaphore, #tpu.memory_space<semaphore_mem>>)
      %dma_wait3A_48 = tpu.memref_slice %arg3[%mul3A_2] : memref<819200xi32, #tpu.memory_space<hbm>> -> memref<25600xi32, #tpu.memory_space<hbm>>
      %dma_wait3A_49 = tpu.memref_slice %arg3[%mul3A_2] : memref<819200xi32, #tpu.memory_space<hbm>> -> memref<25600xi32, #tpu.memory_space<hbm>>
      tpu.wait_dma2 semaphore(%run_scoped3A : memref<!tpu.dma_semaphore, #tpu.memory_space<semaphore_mem>>) src(%dma_wait3A_49 : memref<25600xi32, #tpu.memory_space<hbm>>) dst(%arg5 : memref<25600xi32, #tpu.memory_space<vmem>>)
      tpu.yield
    }) : () -> ()
    %dma_start3A = arith.constant 0 : i32
    %dma_start3A_3 = tpu.memref_slice %arg5[%dma_start3A] : memref<25600xi32, #tpu.memory_space<vmem>> -> memref<200xi32, #tpu.memory_space<vmem>>
    %dma_start3A_4 = arith.constant 0 : i32
    %dma_start3A_5 = arith.constant 0 : i32
    %dma_start3A_6 = tpu.memref_slice %arg2[%dma_start3A_4, %dma_start3A_5] : memref<1000000x128xf32, #tpu.memory_space<hbm>> -> memref<1000000x128xf32, #tpu.memory_space<hbm>>
    tpu.enqueue_indirect_dma source(%dma_start3A_6 : memref<1000000x128xf32, #tpu.memory_space<hbm>>) target(%arg6 : memref<200x128xf32, #tpu.memory_space<vmem>>) offsets(%dma_start3A_3 : memref<200xi32, #tpu.memory_space<vmem>>) semaphore(%arg10 : memref<!tpu.dma_semaphore, #tpu.memory_space<semaphore_mem>>)
    %dma_start3A_7 = arith.constant 200 : i32
    %dma_start3A_8 = tpu.memref_slice %arg5[%dma_start3A_7] : memref<25600xi32, #tpu.memory_space<vmem>> -> memref<200xi32, #tpu.memory_space<vmem>>
    %dma_start3A_9 = arith.constant 0 : i32
    %dma_start3A_10 = arith.constant 0 : i32
    %dma_start3A_11 = tpu.memref_slice %arg2[%dma_start3A_9, %dma_start3A_10] : memref<1000000x128xf32, #tpu.memory_space<hbm>> -> memref<1000000x128xf32, #tpu.memory_space<hbm>>
    tpu.enqueue_indirect_dma source(%dma_start3A_11 : memref<1000000x128xf32, #tpu.memory_space<hbm>>) target(%arg7 : memref<200x128xf32, #tpu.memory_space<vmem>>) offsets(%dma_start3A_8 : memref<200xi32, #tpu.memory_space<vmem>>) semaphore(%arg11 : memref<!tpu.dma_semaphore, #tpu.memory_space<semaphore_mem>>)
    %dma_start3A_12 = arith.constant 400 : i32
    %dma_start3A_13 = tpu.memref_slice %arg5[%dma_start3A_12] : memref<25600xi32, #tpu.memory_space<vmem>> -> memref<200xi32, #tpu.memory_space<vmem>>
    %dma_start3A_14 = arith.constant 0 : i32
    %dma_start3A_15 = arith.constant 0 : i32
    %dma_start3A_16 = tpu.memref_slice %arg2[%dma_start3A_14, %dma_start3A_15] : memref<1000000x128xf32, #tpu.memory_space<hbm>> -> memref<1000000x128xf32, #tpu.memory_space<hbm>>
    tpu.enqueue_indirect_dma source(%dma_start3A_16 : memref<1000000x128xf32, #tpu.memory_space<hbm>>) target(%arg8 : memref<200x128xf32, #tpu.memory_space<vmem>>) offsets(%dma_start3A_13 : memref<200xi32, #tpu.memory_space<vmem>>) semaphore(%arg12 : memref<!tpu.dma_semaphore, #tpu.memory_space<semaphore_mem>>)
    %scan3A = arith.constant 0 : i32
    %scan3A_17 = arith.constant 0 : i32
    %scan3A_18 = arith.constant 32 : i32
    %scan3A_19 = arith.addi %scan3A_17, %scan3A_18 : i32
    %scan3A_20 = arith.constant 1 : i32
    %scan3A_21 = scf.for %scan3A_46 = %scan3A_17 to %scan3A_19 step %scan3A_20 iter_args(%scan3A_47 = %scan3A) -> (i32)  : i32 {
      %mul3A_48 = arith.constant 4 : i32
      %mul3A_49 = arith.muli %mul3A_48, %scan3A_46 : i32
      %add3A_50 = arith.constant 0 : i32
      %add3A_51 = arith.addi %mul3A_49, %add3A_50 : i32
      %mul3A_52 = arith.constant 200 : i32
      %mul3A_53 = arith.muli %add3A_51, %mul3A_52 : i32
      %dma_wait3A_54 = tpu.memref_slice %arg5[%mul3A_53] : memref<25600xi32, #tpu.memory_space<vmem>> -> memref<200xi32, #tpu.memory_space<vmem>>
      %dma_wait3A_55 = arith.constant 0 : i32
      %dma_wait3A_56 = arith.constant 0 : i32
      %dma_wait3A_57 = tpu.memref_slice %arg2[%dma_wait3A_55, %dma_wait3A_56] : memref<1000000x128xf32, #tpu.memory_space<hbm>> -> memref<1000000x128xf32, #tpu.memory_space<hbm>>
      tpu.wait_indirect_dma semaphore(%arg10 : memref<!tpu.dma_semaphore, #tpu.memory_space<semaphore_mem>>) src(%dma_wait3A_57 : memref<1000000x128xf32, #tpu.memory_space<hbm>>) dst(%arg6 : memref<200x128xf32, #tpu.memory_space<vmem>>)
      %add3A_58 = arith.constant 4 : i32
      %add3A_59 = arith.addi %add3A_51, %add3A_58 : i32
      %sub3A = arith.constant 1 : i32
      %sub3A_60 = arith.subi %add3A_59, %sub3A : i32
      %lt3A = arith.constant 128 : i32
      %lt3A_61 = arith.cmpi slt, %sub3A_60, %lt3A : i32
      %convert_element_type3A = arith.extui %lt3A_61 : i1 to i32
      %cond3A = arith.constant 0 : i32
      %cond3A_62 = arith.cmpi ne, %convert_element_type3A, %cond3A : i32
      scf.if %cond3A_62 {
        %ge3A = arith.constant 1 : i32
        %ge3A_160 = arith.cmpi sge, %add3A_51, %ge3A : i32
        %convert_element_type3A_161 = arith.extui %ge3A_160 : i1 to i32
        %cond3A_162 = arith.constant 0 : i32
        %cond3A_163 = arith.cmpi ne, %convert_element_type3A_161, %cond3A_162 : i32
        scf.if %cond3A_163 {
          %sub3A_174 = arith.constant 1 : i32
          %sub3A_175 = arith.subi %add3A_51, %sub3A_174 : i32
          %mul3A_176 = arith.constant 200 : i32
          %mul3A_177 = arith.muli %sub3A_175, %mul3A_176 : i32
          %add3A_178 = arith.addi %mul3A_2, %mul3A_177 : i32
          %dma_wait3A_179 = arith.constant 0 : i32
          %dma_wait3A_180 = tpu.memref_slice %arg4[%add3A_178, %dma_wait3A_179] : memref<819200x128xf32, #tpu.memory_space<hbm>> -> memref<200x128xf32, #tpu.memory_space<hbm>>
          %dma_wait3A_181 = arith.constant 0 : i32
          %dma_wait3A_182 = tpu.memref_slice %arg4[%add3A_178, %dma_wait3A_181] : memref<819200x128xf32, #tpu.memory_space<hbm>> -> memref<200x128xf32, #tpu.memory_space<hbm>>
          tpu.wait_dma2 semaphore(%arg17 : memref<!tpu.dma_semaphore, #tpu.memory_space<semaphore_mem>>) src(%arg9 : memref<200x128xf32, #tpu.memory_space<vmem>>) dst(%dma_wait3A_182 : memref<200x128xf32, #tpu.memory_space<hbm>>)
        } else {
        }
        %add3A_164 = arith.constant 4 : i32
        %add3A_165 = arith.addi %add3A_51, %add3A_164 : i32
        %sub3A_166 = arith.constant 1 : i32
        %sub3A_167 = arith.subi %add3A_165, %sub3A_166 : i32
        %mul3A_168 = arith.constant 200 : i32
        %mul3A_169 = arith.muli %sub3A_167, %mul3A_168 : i32
        %dma_start3A_170 = tpu.memref_slice %arg5[%mul3A_169] : memref<25600xi32, #tpu.memory_space<vmem>> -> memref<200xi32, #tpu.memory_space<vmem>>
        %dma_start3A_171 = arith.constant 0 : i32
        %dma_start3A_172 = arith.constant 0 : i32
        %dma_start3A_173 = tpu.memref_slice %arg2[%dma_start3A_171, %dma_start3A_172] : memref<1000000x128xf32, #tpu.memory_space<hbm>> -> memref<1000000x128xf32, #tpu.memory_space<hbm>>
        tpu.enqueue_indirect_dma source(%dma_start3A_173 : memref<1000000x128xf32, #tpu.memory_space<hbm>>) target(%arg9 : memref<200x128xf32, #tpu.memory_space<vmem>>) offsets(%dma_start3A_170 : memref<200xi32, #tpu.memory_space<vmem>>) semaphore(%arg13 : memref<!tpu.dma_semaphore, #tpu.memory_space<semaphore_mem>>)
      } else {
      }
      %parallel_loop3A = arith.constant 0 : i32
      %parallel_loop3A_63 = arith.constant 200 : i32
      %parallel_loop3A_64 = arith.constant 1 : i32
      scf.for %parallel_loop3A_160 = %parallel_loop3A to %parallel_loop3A_63 step %parallel_loop3A_64  : i32 {
        %parallel_loop3A_161 = arith.index_cast %parallel_loop3A_160 : i32 to index
        %parallel_loop3A_162 = arith.constant 0 : index
        %parallel_loop3A_163 = tpu.vector_load %arg6[%parallel_loop3A_161, %parallel_loop3A_162] {strides = array<i32>} : memref<200x128xf32, #tpu.memory_space<vmem>>, vector<1x16xf32>,
        %parallel_loop3A_164 = vector.shape_cast %parallel_loop3A_163 : vector<1x16xf32> to vector<16xf32>
        %parallel_loop3A_165 = arith.constant 8.000000e+00 : f32
        %parallel_loop3A_166 = vector.broadcast %parallel_loop3A_165 : f32 to vector<16xf32>
        %parallel_loop3A_167 = arith.mulf %parallel_loop3A_164, %parallel_loop3A_166 : vector<16xf32>
        %parallel_loop3A_168 = arith.index_cast %parallel_loop3A_160 : i32 to index
        %parallel_loop3A_169 = arith.constant 0 : index
        %parallel_loop3A_170 = tpu.vector_load %arg6[%parallel_loop3A_168, %parallel_loop3A_169] {strides = array<i32>} : memref<200x128xf32, #tpu.memory_space<vmem>>, vector<1x16xf32>,
        %parallel_loop3A_171 = vector.shape_cast %parallel_loop3A_170 : vector<1x16xf32> to vector<16xf32>
        %parallel_loop3A_172 = vector.shape_cast %parallel_loop3A_167 : vector<16xf32> to vector<1x16xf32>
        tpu.vector_store %arg6[%parallel_loop3A_168, %parallel_loop3A_169], %parallel_loop3A_172 {strides = array<i32>} : memref<200x128xf32, #tpu.memory_space<vmem>>, vector<1x16xf32>,
        %parallel_loop3A_173 = arith.index_cast %parallel_loop3A_160 : i32 to index
        %parallel_loop3A_174 = arith.constant 16 : index
        %parallel_loop3A_175 = tpu.vector_load %arg6[%parallel_loop3A_173, %parallel_loop3A_174] {strides = array<i32>} : memref<200x128xf32, #tpu.memory_space<vmem>>, vector<1x16xf32>,
        %parallel_loop3A_176 = vector.shape_cast %parallel_loop3A_175 : vector<1x16xf32> to vector<16xf32>
        %parallel_loop3A_177 = arith.constant 8.000000e+00 : f32
        %parallel_loop3A_178 = vector.broadcast %parallel_loop3A_177 : f32 to vector<16xf32>
        %parallel_loop3A_179 = arith.mulf %parallel_loop3A_176, %parallel_loop3A_178 : vector<16xf32>
        %parallel_loop3A_180 = arith.index_cast %parallel_loop3A_160 : i32 to index
        %parallel_loop3A_181 = arith.constant 16 : index
        %parallel_loop3A_182 = tpu.vector_load %arg6[%parallel_loop3A_180, %parallel_loop3A_181] {strides = array<i32>} : memref<200x128xf32, #tpu.memory_space<vmem>>, vector<1x16xf32>,
        %parallel_loop3A_183 = vector.shape_cast %parallel_loop3A_182 : vector<1x16xf32> to vector<16xf32>
        %parallel_loop3A_184 = vector.shape_cast %parallel_loop3A_179 : vector<16xf32> to vector<1x16xf32>
        tpu.vector_store %arg6[%parallel_loop3A_180, %parallel_loop3A_181], %parallel_loop3A_184 {strides = array<i32>} : memref<200x128xf32, #tpu.memory_space<vmem>>, vector<1x16xf32>,
        %parallel_loop3A_185 = arith.index_cast %parallel_loop3A_160 : i32 to index
        %parallel_loop3A_186 = arith.constant 32 : index
        %parallel_loop3A_187 = tpu.vector_load %arg6[%parallel_loop3A_185, %parallel_loop3A_186] {strides = array<i32>} : memref<200x128xf32, #tpu.memory_space<vmem>>, vector<1x16xf32>,
        %parallel_loop3A_188 = vector.shape_cast %parallel_loop3A_187 : vector<1x16xf32> to vector<16xf32>
        %parallel_loop3A_189 = arith.constant 8.000000e+00 : f32
        %parallel_loop3A_190 = vector.broadcast %parallel_loop3A_189 : f32 to vector<16xf32>
        %parallel_loop3A_191 = arith.mulf %parallel_loop3A_188, %parallel_loop3A_190 : vector<16xf32>
        %parallel_loop3A_192 = arith.index_cast %parallel_loop3A_160 : i32 to index
        %parallel_loop3A_193 = arith.constant 32 : index
        %parallel_loop3A_194 = tpu.vector_load %arg6[%parallel_loop3A_192, %parallel_loop3A_193] {strides = array<i32>} : memref<200x128xf32, #tpu.memory_space<vmem>>, vector<1x16xf32>,
        %parallel_loop3A_195 = vector.shape_cast %parallel_loop3A_194 : vector<1x16xf32> to vector<16xf32>
        %parallel_loop3A_196 = vector.shape_cast %parallel_loop3A_191 : vector<16xf32> to vector<1x16xf32>
        tpu.vector_store %arg6[%parallel_loop3A_192, %parallel_loop3A_193], %parallel_loop3A_196 {strides = array<i32>} : memref<200x128xf32, #tpu.memory_space<vmem>>, vector<1x16xf32>,
        %parallel_loop3A_197 = arith.index_cast %parallel_loop3A_160 : i32 to index
        %parallel_loop3A_198 = arith.constant 48 : index
        %parallel_loop3A_199 = tpu.vector_load %arg6[%parallel_loop3A_197, %parallel_loop3A_198] {strides = array<i32>} : memref<200x128xf32, #tpu.memory_space<vmem>>, vector<1x16xf32>,
        %parallel_loop3A_200 = vector.shape_cast %parallel_loop3A_199 : vector<1x16xf32> to vector<16xf32>
        %parallel_loop3A_201 = arith.constant 8.000000e+00 : f32
        %parallel_loop3A_202 = vector.broadcast %parallel_loop3A_201 : f32 to vector<16xf32>
        %parallel_loop3A_203 = arith.mulf %parallel_loop3A_200, %parallel_loop3A_202 : vector<16xf32>
        %parallel_loop3A_204 = arith.index_cast %parallel_loop3A_160 : i32 to index
        %parallel_loop3A_205 = arith.constant 48 : index
        %parallel_loop3A_206 = tpu.vector_load %arg6[%parallel_loop3A_204, %parallel_loop3A_205] {strides = array<i32>} : memref<200x128xf32, #tpu.memory_space<vmem>>, vector<1x16xf32>,
        %parallel_loop3A_207 = vector.shape_cast %parallel_loop3A_206 : vector<1x16xf32> to vector<16xf32>
        %parallel_loop3A_208 = vector.shape_cast %parallel_loop3A_203 : vector<16xf32> to vector<1x16xf32>
        tpu.vector_store %arg6[%parallel_loop3A_204, %parallel_loop3A_205], %parallel_loop3A_208 {strides = array<i32>} : memref<200x128xf32, #tpu.memory_space<vmem>>, vector<1x16xf32>,
      } {sc.loop_unroll_factor = 4 : i64, sc.parallel_access}
      %mul3A_65 = arith.constant 200 : i32
      %mul3A_66 = arith.muli %add3A_51, %mul3A_65 : i32
      %add3A_67 = arith.addi %mul3A_2, %mul3A_66 : i32
      %dma_start3A_68 = arith.constant 0 : i32
      %dma_start3A_69 = tpu.memref_slice %arg4[%add3A_67, %dma_start3A_68] : memref<819200x128xf32, #tpu.memory_space<hbm>> -> memref<200x128xf32, #tpu.memory_space<hbm>>
      %dma_start3A_70 = arith.constant 0 : i32
      %dma_start3A_71 = tpu.memref_slice %arg4[%add3A_67, %dma_start3A_70] : memref<819200x128xf32, #tpu.memory_space<hbm>> -> memref<200x128xf32, #tpu.memory_space<hbm>>
      tpu.enqueue_dma source(%arg6 : memref<200x128xf32, #tpu.memory_space<vmem>>) target(%dma_start3A_71 : memref<200x128xf32, #tpu.memory_space<hbm>>) target_semaphore(%arg14 : memref<!tpu.dma_semaphore, #tpu.memory_space<semaphore_mem>>)
      %mul3A_72 = arith.constant 4 : i32
      %mul3A_73 = arith.muli %mul3A_72, %scan3A_46 : i32
      %add3A_74 = arith.constant 1 : i32
      %add3A_75 = arith.addi %mul3A_73, %add3A_74 : i32
      %mul3A_76 = arith.constant 200 : i32
      %mul3A_77 = arith.muli %add3A_75, %mul3A_76 : i32
      %dma_wait3A_78 = tpu.memref_slice %arg5[%mul3A_77] : memref<25600xi32, #tpu.memory_space<vmem>> -> memref<200xi32, #tpu.memory_space<vmem>>
      %dma_wait3A_79 = arith.constant 0 : i32
      %dma_wait3A_80 = arith.constant 0 : i32
      %dma_wait3A_81 = tpu.memref_slice %arg2[%dma_wait3A_79, %dma_wait3A_80] : memref<1000000x128xf32, #tpu.memory_space<hbm>> -> memref<1000000x128xf32, #tpu.memory_space<hbm>>
      tpu.wait_indirect_dma semaphore(%arg11 : memref<!tpu.dma_semaphore, #tpu.memory_space<semaphore_mem>>) src(%dma_wait3A_81 : memref<1000000x128xf32, #tpu.memory_space<hbm>>) dst(%arg7 : memref<200x128xf32, #tpu.memory_space<vmem>>)
      %add3A_82 = arith.constant 4 : i32
      %add3A_83 = arith.addi %add3A_75, %add3A_82 : i32
      %sub3A_84 = arith.constant 1 : i32
      %sub3A_85 = arith.subi %add3A_83, %sub3A_84 : i32
      %lt3A_86 = arith.constant 128 : i32
      %lt3A_87 = arith.cmpi slt, %sub3A_85, %lt3A_86 : i32
      %convert_element_type3A_88 = arith.extui %lt3A_87 : i1 to i32
      %cond3A_89 = arith.constant 0 : i32
      %cond3A_90 = arith.cmpi ne, %convert_element_type3A_88, %cond3A_89 : i32
      scf.if %cond3A_90 {
        %ge3A = arith.constant 1 : i32
        %ge3A_160 = arith.cmpi sge, %add3A_75, %ge3A : i32
        %convert_element_type3A_161 = arith.extui %ge3A_160 : i1 to i32
        %cond3A_162 = arith.constant 0 : i32
        %cond3A_163 = arith.cmpi ne, %convert_element_type3A_161, %cond3A_162 : i32
        scf.if %cond3A_163 {
          %sub3A_174 = arith.constant 1 : i32
          %sub3A_175 = arith.subi %add3A_75, %sub3A_174 : i32
          %mul3A_176 = arith.constant 200 : i32
          %mul3A_177 = arith.muli %sub3A_175, %mul3A_176 : i32
          %add3A_178 = arith.addi %mul3A_2, %mul3A_177 : i32
          %dma_wait3A_179 = arith.constant 0 : i32
          %dma_wait3A_180 = tpu.memref_slice %arg4[%add3A_178, %dma_wait3A_179] : memref<819200x128xf32, #tpu.memory_space<hbm>> -> memref<200x128xf32, #tpu.memory_space<hbm>>
          %dma_wait3A_181 = arith.constant 0 : i32
          %dma_wait3A_182 = tpu.memref_slice %arg4[%add3A_178, %dma_wait3A_181] : memref<819200x128xf32, #tpu.memory_space<hbm>> -> memref<200x128xf32, #tpu.memory_space<hbm>>
          tpu.wait_dma2 semaphore(%arg14 : memref<!tpu.dma_semaphore, #tpu.memory_space<semaphore_mem>>) src(%arg6 : memref<200x128xf32, #tpu.memory_space<vmem>>) dst(%dma_wait3A_182 : memref<200x128xf32, #tpu.memory_space<hbm>>)
        } else {
        }
        %add3A_164 = arith.constant 4 : i32
        %add3A_165 = arith.addi %add3A_75, %add3A_164 : i32
        %sub3A_166 = arith.constant 1 : i32
        %sub3A_167 = arith.subi %add3A_165, %sub3A_166 : i32
        %mul3A_168 = arith.constant 200 : i32
        %mul3A_169 = arith.muli %sub3A_167, %mul3A_168 : i32
        %dma_start3A_170 = tpu.memref_slice %arg5[%mul3A_169] : memref<25600xi32, #tpu.memory_space<vmem>> -> memref<200xi32, #tpu.memory_space<vmem>>
        %dma_start3A_171 = arith.constant 0 : i32
        %dma_start3A_172 = arith.constant 0 : i32
        %dma_start3A_173 = tpu.memref_slice %arg2[%dma_start3A_171, %dma_start3A_172] : memref<1000000x128xf32, #tpu.memory_space<hbm>> -> memref<1000000x128xf32, #tpu.memory_space<hbm>>
        tpu.enqueue_indirect_dma source(%dma_start3A_173 : memref<1000000x128xf32, #tpu.memory_space<hbm>>) target(%arg6 : memref<200x128xf32, #tpu.memory_space<vmem>>) offsets(%dma_start3A_170 : memref<200xi32, #tpu.memory_space<vmem>>) semaphore(%arg10 : memref<!tpu.dma_semaphore, #tpu.memory_space<semaphore_mem>>)
      } else {
      }
      %parallel_loop3A_91 = arith.constant 0 : i32
      %parallel_loop3A_92 = arith.constant 200 : i32
      %parallel_loop3A_93 = arith.constant 1 : i32
      scf.for %parallel_loop3A_160 = %parallel_loop3A_91 to %parallel_loop3A_92 step %parallel_loop3A_93  : i32 {
        %parallel_loop3A_161 = arith.index_cast %parallel_loop3A_160 : i32 to index
        %parallel_loop3A_162 = arith.constant 0 : index
        %parallel_loop3A_163 = tpu.vector_load %arg7[%parallel_loop3A_161, %parallel_loop3A_162] {strides = array<i32>} : memref<200x128xf32, #tpu.memory_space<vmem>>, vector<1x16xf32>,
        %parallel_loop3A_164 = vector.shape_cast %parallel_loop3A_163 : vector<1x16xf32> to vector<16xf32>
        %parallel_loop3A_165 = arith.constant 8.000000e+00 : f32
        %parallel_loop3A_166 = vector.broadcast %parallel_loop3A_165 : f32 to vector<16xf32>
        %parallel_loop3A_167 = arith.mulf %parallel_loop3A_164, %parallel_loop3A_166 : vector<16xf32>
        %parallel_loop3A_168 = arith.index_cast %parallel_loop3A_160 : i32 to index
        %parallel_loop3A_169 = arith.constant 0 : index
        %parallel_loop3A_170 = tpu.vector_load %arg7[%parallel_loop3A_168, %parallel_loop3A_169] {strides = array<i32>} : memref<200x128xf32, #tpu.memory_space<vmem>>, vector<1x16xf32>,
        %parallel_loop3A_171 = vector.shape_cast %parallel_loop3A_170 : vector<1x16xf32> to vector<16xf32>
        %parallel_loop3A_172 = vector.shape_cast %parallel_loop3A_167 : vector<16xf32> to vector<1x16xf32>
        tpu.vector_store %arg7[%parallel_loop3A_168, %parallel_loop3A_169], %parallel_loop3A_172 {strides = array<i32>} : memref<200x128xf32, #tpu.memory_space<vmem>>, vector<1x16xf32>,
        %parallel_loop3A_173 = arith.index_cast %parallel_loop3A_160 : i32 to index
        %parallel_loop3A_174 = arith.constant 16 : index
        %parallel_loop3A_175 = tpu.vector_load %arg7[%parallel_loop3A_173, %parallel_loop3A_174] {strides = array<i32>} : memref<200x128xf32, #tpu.memory_space<vmem>>, vector<1x16xf32>,
        %parallel_loop3A_176 = vector.shape_cast %parallel_loop3A_175 : vector<1x16xf32> to vector<16xf32>
        %parallel_loop3A_177 = arith.constant 8.000000e+00 : f32
        %parallel_loop3A_178 = vector.broadcast %parallel_loop3A_177 : f32 to vector<16xf32>
        %parallel_loop3A_179 = arith.mulf %parallel_loop3A_176, %parallel_loop3A_178 : vector<16xf32>
        %parallel_loop3A_180 = arith.index_cast %parallel_loop3A_160 : i32 to index
        %parallel_loop3A_181 = arith.constant 16 : index
        %parallel_loop3A_182 = tpu.vector_load %arg7[%parallel_loop3A_180, %parallel_loop3A_181] {strides = array<i32>} : memref<200x128xf32, #tpu.memory_space<vmem>>, vector<1x16xf32>,
        %parallel_loop3A_183 = vector.shape_cast %parallel_loop3A_182 : vector<1x16xf32> to vector<16xf32>
        %parallel_loop3A_184 = vector.shape_cast %parallel_loop3A_179 : vector<16xf32> to vector<1x16xf32>
        tpu.vector_store %arg7[%parallel_loop3A_180, %parallel_loop3A_181], %parallel_loop3A_184 {strides = array<i32>} : memref<200x128xf32, #tpu.memory_space<vmem>>, vector<1x16xf32>,
        %parallel_loop3A_185 = arith.index_cast %parallel_loop3A_160 : i32 to index
        %parallel_loop3A_186 = arith.constant 32 : index
        %parallel_loop3A_187 = tpu.vector_load %arg7[%parallel_loop3A_185, %parallel_loop3A_186] {strides = array<i32>} : memref<200x128xf32, #tpu.memory_space<vmem>>, vector<1x16xf32>,
        %parallel_loop3A_188 = vector.shape_cast %parallel_loop3A_187 : vector<1x16xf32> to vector<16xf32>
        %parallel_loop3A_189 = arith.constant 8.000000e+00 : f32
        %parallel_loop3A_190 = vector.broadcast %parallel_loop3A_189 : f32 to vector<16xf32>
        %parallel_loop3A_191 = arith.mulf %parallel_loop3A_188, %parallel_loop3A_190 : vector<16xf32>
        %parallel_loop3A_192 = arith.index_cast %parallel_loop3A_160 : i32 to index
        %parallel_loop3A_193 = arith.constant 32 : index
        %parallel_loop3A_194 = tpu.vector_load %arg7[%parallel_loop3A_192, %parallel_loop3A_193] {strides = array<i32>} : memref<200x128xf32, #tpu.memory_space<vmem>>, vector<1x16xf32>,
        %parallel_loop3A_195 = vector.shape_cast %parallel_loop3A_194 : vector<1x16xf32> to vector<16xf32>
        %parallel_loop3A_196 = vector.shape_cast %parallel_loop3A_191 : vector<16xf32> to vector<1x16xf32>
        tpu.vector_store %arg7[%parallel_loop3A_192, %parallel_loop3A_193], %parallel_loop3A_196 {strides = array<i32>} : memref<200x128xf32, #tpu.memory_space<vmem>>, vector<1x16xf32>,
        %parallel_loop3A_197 = arith.index_cast %parallel_loop3A_160 : i32 to index
        %parallel_loop3A_198 = arith.constant 48 : index
        %parallel_loop3A_199 = tpu.vector_load %arg7[%parallel_loop3A_197, %parallel_loop3A_198] {strides = array<i32>} : memref<200x128xf32, #tpu.memory_space<vmem>>, vector<1x16xf32>,
        %parallel_loop3A_200 = vector.shape_cast %parallel_loop3A_199 : vector<1x16xf32> to vector<16xf32>
        %parallel_loop3A_201 = arith.constant 8.000000e+00 : f32
        %parallel_loop3A_202 = vector.broadcast %parallel_loop3A_201 : f32 to vector<16xf32>
        %parallel_loop3A_203 = arith.mulf %parallel_loop3A_200, %parallel_loop3A_202 : vector<16xf32>
        %parallel_loop3A_204 = arith.index_cast %parallel_loop3A_160 : i32 to index
        %parallel_loop3A_205 = arith.constant 48 : index
        %parallel_loop3A_206 = tpu.vector_load %arg7[%parallel_loop3A_204, %parallel_loop3A_205] {strides = array<i32>} : memref<200x128xf32, #tpu.memory_space<vmem>>, vector<1x16xf32>,
        %parallel_loop3A_207 = vector.shape_cast %parallel_loop3A_206 : vector<1x16xf32> to vector<16xf32>
        %parallel_loop3A_208 = vector.shape_cast %parallel_loop3A_203 : vector<16xf32> to vector<1x16xf32>
        tpu.vector_store %arg7[%parallel_loop3A_204, %parallel_loop3A_205], %parallel_loop3A_208 {strides = array<i32>} : memref<200x128xf32, #tpu.memory_space<vmem>>, vector<1x16xf32>,
      } {sc.loop_unroll_factor = 4 : i64, sc.parallel_access}
      %mul3A_94 = arith.constant 200 : i32
      %mul3A_95 = arith.muli %add3A_75, %mul3A_94 : i32
      %add3A_96 = arith.addi %mul3A_2, %mul3A_95 : i32
      %dma_start3A_97 = arith.constant 0 : i32
      %dma_start3A_98 = tpu.memref_slice %arg4[%add3A_96, %dma_start3A_97] : memref<819200x128xf32, #tpu.memory_space<hbm>> -> memref<200x128xf32, #tpu.memory_space<hbm>>
      %dma_start3A_99 = arith.constant 0 : i32
      %dma_start3A_100 = tpu.memref_slice %arg4[%add3A_96, %dma_start3A_99] : memref<819200x128xf32, #tpu.memory_space<hbm>> -> memref<200x128xf32, #tpu.memory_space<hbm>>
      tpu.enqueue_dma source(%arg7 : memref<200x128xf32, #tpu.memory_space<vmem>>) target(%dma_start3A_100 : memref<200x128xf32, #tpu.memory_space<hbm>>) target_semaphore(%arg15 : memref<!tpu.dma_semaphore, #tpu.memory_space<semaphore_mem>>)
      %mul3A_101 = arith.constant 4 : i32
      %mul3A_102 = arith.muli %mul3A_101, %scan3A_46 : i32
      %add3A_103 = arith.constant 2 : i32
      %add3A_104 = arith.addi %mul3A_102, %add3A_103 : i32
      %mul3A_105 = arith.constant 200 : i32
      %mul3A_106 = arith.muli %add3A_104, %mul3A_105 : i32
      %dma_wait3A_107 = tpu.memref_slice %arg5[%mul3A_106] : memref<25600xi32, #tpu.memory_space<vmem>> -> memref<200xi32, #tpu.memory_space<vmem>>
      %dma_wait3A_108 = arith.constant 0 : i32
      %dma_wait3A_109 = arith.constant 0 : i32
      %dma_wait3A_110 = tpu.memref_slice %arg2[%dma_wait3A_108, %dma_wait3A_109] : memref<1000000x128xf32, #tpu.memory_space<hbm>> -> memref<1000000x128xf32, #tpu.memory_space<hbm>>
      tpu.wait_indirect_dma semaphore(%arg12 : memref<!tpu.dma_semaphore, #tpu.memory_space<semaphore_mem>>) src(%dma_wait3A_110 : memref<1000000x128xf32, #tpu.memory_space<hbm>>) dst(%arg8 : memref<200x128xf32, #tpu.memory_space<vmem>>)
      %add3A_111 = arith.constant 4 : i32
      %add3A_112 = arith.addi %add3A_104, %add3A_111 : i32
      %sub3A_113 = arith.constant 1 : i32
      %sub3A_114 = arith.subi %add3A_112, %sub3A_113 : i32
      %lt3A_115 = arith.constant 128 : i32
      %lt3A_116 = arith.cmpi slt, %sub3A_114, %lt3A_115 : i32
      %convert_element_type3A_117 = arith.extui %lt3A_116 : i1 to i32
      %cond3A_118 = arith.constant 0 : i32
      %cond3A_119 = arith.cmpi ne, %convert_element_type3A_117, %cond3A_118 : i32
      scf.if %cond3A_119 {
        %ge3A = arith.constant 1 : i32
        %ge3A_160 = arith.cmpi sge, %add3A_104, %ge3A : i32
        %convert_element_type3A_161 = arith.extui %ge3A_160 : i1 to i32
        %cond3A_162 = arith.constant 0 : i32
        %cond3A_163 = arith.cmpi ne, %convert_element_type3A_161, %cond3A_162 : i32
        scf.if %cond3A_163 {
          %sub3A_174 = arith.constant 1 : i32
          %sub3A_175 = arith.subi %add3A_104, %sub3A_174 : i32
          %mul3A_176 = arith.constant 200 : i32
          %mul3A_177 = arith.muli %sub3A_175, %mul3A_176 : i32
          %add3A_178 = arith.addi %mul3A_2, %mul3A_177 : i32
          %dma_wait3A_179 = arith.constant 0 : i32
          %dma_wait3A_180 = tpu.memref_slice %arg4[%add3A_178, %dma_wait3A_179] : memref<819200x128xf32, #tpu.memory_space<hbm>> -> memref<200x128xf32, #tpu.memory_space<hbm>>
          %dma_wait3A_181 = arith.constant 0 : i32
          %dma_wait3A_182 = tpu.memref_slice %arg4[%add3A_178, %dma_wait3A_181] : memref<819200x128xf32, #tpu.memory_space<hbm>> -> memref<200x128xf32, #tpu.memory_space<hbm>>
          tpu.wait_dma2 semaphore(%arg15 : memref<!tpu.dma_semaphore, #tpu.memory_space<semaphore_mem>>) src(%arg7 : memref<200x128xf32, #tpu.memory_space<vmem>>) dst(%dma_wait3A_182 : memref<200x128xf32, #tpu.memory_space<hbm>>)
        } else {
        }
        %add3A_164 = arith.constant 4 : i32
        %add3A_165 = arith.addi %add3A_104, %add3A_164 : i32
        %sub3A_166 = arith.constant 1 : i32
        %sub3A_167 = arith.subi %add3A_165, %sub3A_166 : i32
        %mul3A_168 = arith.constant 200 : i32
        %mul3A_169 = arith.muli %sub3A_167, %mul3A_168 : i32
        %dma_start3A_170 = tpu.memref_slice %arg5[%mul3A_169] : memref<25600xi32, #tpu.memory_space<vmem>> -> memref<200xi32, #tpu.memory_space<vmem>>
        %dma_start3A_171 = arith.constant 0 : i32
        %dma_start3A_172 = arith.constant 0 : i32
        %dma_start3A_173 = tpu.memref_slice %arg2[%dma_start3A_171, %dma_start3A_172] : memref<1000000x128xf32, #tpu.memory_space<hbm>> -> memref<1000000x128xf32, #tpu.memory_space<hbm>>
        tpu.enqueue_indirect_dma source(%dma_start3A_173 : memref<1000000x128xf32, #tpu.memory_space<hbm>>) target(%arg7 : memref<200x128xf32, #tpu.memory_space<vmem>>) offsets(%dma_start3A_170 : memref<200xi32, #tpu.memory_space<vmem>>) semaphore(%arg11 : memref<!tpu.dma_semaphore, #tpu.memory_space<semaphore_mem>>)
      } else {
      }
      %parallel_loop3A_120 = arith.constant 0 : i32
      %parallel_loop3A_121 = arith.constant 200 : i32
      %parallel_loop3A_122 = arith.constant 1 : i32
      scf.for %parallel_loop3A_160 = %parallel_loop3A_120 to %parallel_loop3A_121 step %parallel_loop3A_122  : i32 {
        %parallel_loop3A_161 = arith.index_cast %parallel_loop3A_160 : i32 to index
        %parallel_loop3A_162 = arith.constant 0 : index
        %parallel_loop3A_163 = tpu.vector_load %arg8[%parallel_loop3A_161, %parallel_loop3A_162] {strides = array<i32>} : memref<200x128xf32, #tpu.memory_space<vmem>>, vector<1x16xf32>,
        %parallel_loop3A_164 = vector.shape_cast %parallel_loop3A_163 : vector<1x16xf32> to vector<16xf32>
        %parallel_loop3A_165 = arith.constant 8.000000e+00 : f32
        %parallel_loop3A_166 = vector.broadcast %parallel_loop3A_165 : f32 to vector<16xf32>
        %parallel_loop3A_167 = arith.mulf %parallel_loop3A_164, %parallel_loop3A_166 : vector<16xf32>
        %parallel_loop3A_168 = arith.index_cast %parallel_loop3A_160 : i32 to index
        %parallel_loop3A_169 = arith.constant 0 : index
        %parallel_loop3A_170 = tpu.vector_load %arg8[%parallel_loop3A_168, %parallel_loop3A_169] {strides = array<i32>} : memref<200x128xf32, #tpu.memory_space<vmem>>, vector<1x16xf32>,
        %parallel_loop3A_171 = vector.shape_cast %parallel_loop3A_170 : vector<1x16xf32> to vector<16xf32>
        %parallel_loop3A_172 = vector.shape_cast %parallel_loop3A_167 : vector<16xf32> to vector<1x16xf32>
        tpu.vector_store %arg8[%parallel_loop3A_168, %parallel_loop3A_169], %parallel_loop3A_172 {strides = array<i32>} : memref<200x128xf32, #tpu.memory_space<vmem>>, vector<1x16xf32>,
        %parallel_loop3A_173 = arith.index_cast %parallel_loop3A_160 : i32 to index
        %parallel_loop3A_174 = arith.constant 16 : index
        %parallel_loop3A_175 = tpu.vector_load %arg8[%parallel_loop3A_173, %parallel_loop3A_174] {strides = array<i32>} : memref<200x128xf32, #tpu.memory_space<vmem>>, vector<1x16xf32>,
        %parallel_loop3A_176 = vector.shape_cast %parallel_loop3A_175 : vector<1x16xf32> to vector<16xf32>
        %parallel_loop3A_177 = arith.constant 8.000000e+00 : f32
        %parallel_loop3A_178 = vector.broadcast %parallel_loop3A_177 : f32 to vector<16xf32>
        %parallel_loop3A_179 = arith.mulf %parallel_loop3A_176, %parallel_loop3A_178 : vector<16xf32>
        %parallel_loop3A_180 = arith.index_cast %parallel_loop3A_160 : i32 to index
        %parallel_loop3A_181 = arith.constant 16 : index
        %parallel_loop3A_182 = tpu.vector_load %arg8[%parallel_loop3A_180, %parallel_loop3A_181] {strides = array<i32>} : memref<200x128xf32, #tpu.memory_space<vmem>>, vector<1x16xf32>,
        %parallel_loop3A_183 = vector.shape_cast %parallel_loop3A_182 : vector<1x16xf32> to vector<16xf32>
        %parallel_loop3A_184 = vector.shape_cast %parallel_loop3A_179 : vector<16xf32> to vector<1x16xf32>
        tpu.vector_store %arg8[%parallel_loop3A_180, %parallel_loop3A_181], %parallel_loop3A_184 {strides = array<i32>} : memref<200x128xf32, #tpu.memory_space<vmem>>, vector<1x16xf32>,
        %parallel_loop3A_185 = arith.index_cast %parallel_loop3A_160 : i32 to index
        %parallel_loop3A_186 = arith.constant 32 : index
        %parallel_loop3A_187 = tpu.vector_load %arg8[%parallel_loop3A_185, %parallel_loop3A_186] {strides = array<i32>} : memref<200x128xf32, #tpu.memory_space<vmem>>, vector<1x16xf32>,
        %parallel_loop3A_188 = vector.shape_cast %parallel_loop3A_187 : vector<1x16xf32> to vector<16xf32>
        %parallel_loop3A_189 = arith.constant 8.000000e+00 : f32
        %parallel_loop3A_190 = vector.broadcast %parallel_loop3A_189 : f32 to vector<16xf32>
        %parallel_loop3A_191 = arith.mulf %parallel_loop3A_188, %parallel_loop3A_190 : vector<16xf32>
        %parallel_loop3A_192 = arith.index_cast %parallel_loop3A_160 : i32 to index
        %parallel_loop3A_193 = arith.constant 32 : index
        %parallel_loop3A_194 = tpu.vector_load %arg8[%parallel_loop3A_192, %parallel_loop3A_193] {strides = array<i32>} : memref<200x128xf32, #tpu.memory_space<vmem>>, vector<1x16xf32>,
        %parallel_loop3A_195 = vector.shape_cast %parallel_loop3A_194 : vector<1x16xf32> to vector<16xf32>
        %parallel_loop3A_196 = vector.shape_cast %parallel_loop3A_191 : vector<16xf32> to vector<1x16xf32>
        tpu.vector_store %arg8[%parallel_loop3A_192, %parallel_loop3A_193], %parallel_loop3A_196 {strides = array<i32>} : memref<200x128xf32, #tpu.memory_space<vmem>>, vector<1x16xf32>,
        %parallel_loop3A_197 = arith.index_cast %parallel_loop3A_160 : i32 to index
        %parallel_loop3A_198 = arith.constant 48 : index
        %parallel_loop3A_199 = tpu.vector_load %arg8[%parallel_loop3A_197, %parallel_loop3A_198] {strides = array<i32>} : memref<200x128xf32, #tpu.memory_space<vmem>>, vector<1x16xf32>,
        %parallel_loop3A_200 = vector.shape_cast %parallel_loop3A_199 : vector<1x16xf32> to vector<16xf32>
        %parallel_loop3A_201 = arith.constant 8.000000e+00 : f32
        %parallel_loop3A_202 = vector.broadcast %parallel_loop3A_201 : f32 to vector<16xf32>
        %parallel_loop3A_203 = arith.mulf %parallel_loop3A_200, %parallel_loop3A_202 : vector<16xf32>
        %parallel_loop3A_204 = arith.index_cast %parallel_loop3A_160 : i32 to index
        %parallel_loop3A_205 = arith.constant 48 : index
        %parallel_loop3A_206 = tpu.vector_load %arg8[%parallel_loop3A_204, %parallel_loop3A_205] {strides = array<i32>} : memref<200x128xf32, #tpu.memory_space<vmem>>, vector<1x16xf32>,
        %parallel_loop3A_207 = vector.shape_cast %parallel_loop3A_206 : vector<1x16xf32> to vector<16xf32>
        %parallel_loop3A_208 = vector.shape_cast %parallel_loop3A_203 : vector<16xf32> to vector<1x16xf32>
        tpu.vector_store %arg8[%parallel_loop3A_204, %parallel_loop3A_205], %parallel_loop3A_208 {strides = array<i32>} : memref<200x128xf32, #tpu.memory_space<vmem>>, vector<1x16xf32>,
      } {sc.loop_unroll_factor = 4 : i64, sc.parallel_access}
      %mul3A_123 = arith.constant 200 : i32
      %mul3A_124 = arith.muli %add3A_104, %mul3A_123 : i32
      %add3A_125 = arith.addi %mul3A_2, %mul3A_124 : i32
      %dma_start3A_126 = arith.constant 0 : i32
      %dma_start3A_127 = tpu.memref_slice %arg4[%add3A_125, %dma_start3A_126] : memref<819200x128xf32, #tpu.memory_space<hbm>> -> memref<200x128xf32, #tpu.memory_space<hbm>>
      %dma_start3A_128 = arith.constant 0 : i32
      %dma_start3A_129 = tpu.memref_slice %arg4[%add3A_125, %dma_start3A_128] : memref<819200x128xf32, #tpu.memory_space<hbm>> -> memref<200x128xf32, #tpu.memory_space<hbm>>
      tpu.enqueue_dma source(%arg8 : memref<200x128xf32, #tpu.memory_space<vmem>>) target(%dma_start3A_129 : memref<200x128xf32, #tpu.memory_space<hbm>>) target_semaphore(%arg16 : memref<!tpu.dma_semaphore, #tpu.memory_space<semaphore_mem>>)
      %mul3A_130 = arith.constant 4 : i32
      %mul3A_131 = arith.muli %mul3A_130, %scan3A_46 : i32
      %add3A_132 = arith.constant 3 : i32
      %add3A_133 = arith.addi %mul3A_131, %add3A_132 : i32
      %mul3A_134 = arith.constant 200 : i32
      %mul3A_135 = arith.muli %add3A_133, %mul3A_134 : i32
      %dma_wait3A_136 = tpu.memref_slice %arg5[%mul3A_135] : memref<25600xi32, #tpu.memory_space<vmem>> -> memref<200xi32, #tpu.memory_space<vmem>>
      %dma_wait3A_137 = arith.constant 0 : i32
      %dma_wait3A_138 = arith.constant 0 : i32
      %dma_wait3A_139 = tpu.memref_slice %arg2[%dma_wait3A_137, %dma_wait3A_138] : memref<1000000x128xf32, #tpu.memory_space<hbm>> -> memref<1000000x128xf32, #tpu.memory_space<hbm>>
      tpu.wait_indirect_dma semaphore(%arg13 : memref<!tpu.dma_semaphore, #tpu.memory_space<semaphore_mem>>) src(%dma_wait3A_139 : memref<1000000x128xf32, #tpu.memory_space<hbm>>) dst(%arg9 : memref<200x128xf32, #tpu.memory_space<vmem>>)
      %add3A_140 = arith.constant 4 : i32
      %add3A_141 = arith.addi %add3A_133, %add3A_140 : i32
      %sub3A_142 = arith.constant 1 : i32
      %sub3A_143 = arith.subi %add3A_141, %sub3A_142 : i32
      %lt3A_144 = arith.constant 128 : i32
      %lt3A_145 = arith.cmpi slt, %sub3A_143, %lt3A_144 : i32
      %convert_element_type3A_146 = arith.extui %lt3A_145 : i1 to i32
      %cond3A_147 = arith.constant 0 : i32
      %cond3A_148 = arith.cmpi ne, %convert_element_type3A_146, %cond3A_147 : i32
      scf.if %cond3A_148 {
        %ge3A = arith.constant 1 : i32
        %ge3A_160 = arith.cmpi sge, %add3A_133, %ge3A : i32
        %convert_element_type3A_161 = arith.extui %ge3A_160 : i1 to i32
        %cond3A_162 = arith.constant 0 : i32
        %cond3A_163 = arith.cmpi ne, %convert_element_type3A_161, %cond3A_162 : i32
        scf.if %cond3A_163 {
          %sub3A_174 = arith.constant 1 : i32
          %sub3A_175 = arith.subi %add3A_133, %sub3A_174 : i32
          %mul3A_176 = arith.constant 200 : i32
          %mul3A_177 = arith.muli %sub3A_175, %mul3A_176 : i32
          %add3A_178 = arith.addi %mul3A_2, %mul3A_177 : i32
          %dma_wait3A_179 = arith.constant 0 : i32
          %dma_wait3A_180 = tpu.memref_slice %arg4[%add3A_178, %dma_wait3A_179] : memref<819200x128xf32, #tpu.memory_space<hbm>> -> memref<200x128xf32, #tpu.memory_space<hbm>>
          %dma_wait3A_181 = arith.constant 0 : i32
          %dma_wait3A_182 = tpu.memref_slice %arg4[%add3A_178, %dma_wait3A_181] : memref<819200x128xf32, #tpu.memory_space<hbm>> -> memref<200x128xf32, #tpu.memory_space<hbm>>
          tpu.wait_dma2 semaphore(%arg16 : memref<!tpu.dma_semaphore, #tpu.memory_space<semaphore_mem>>) src(%arg8 : memref<200x128xf32, #tpu.memory_space<vmem>>) dst(%dma_wait3A_182 : memref<200x128xf32, #tpu.memory_space<hbm>>)
        } else {
        }
        %add3A_164 = arith.constant 4 : i32
        %add3A_165 = arith.addi %add3A_133, %add3A_164 : i32
        %sub3A_166 = arith.constant 1 : i32
        %sub3A_167 = arith.subi %add3A_165, %sub3A_166 : i32
        %mul3A_168 = arith.constant 200 : i32
        %mul3A_169 = arith.muli %sub3A_167, %mul3A_168 : i32
        %dma_start3A_170 = tpu.memref_slice %arg5[%mul3A_169] : memref<25600xi32, #tpu.memory_space<vmem>> -> memref<200xi32, #tpu.memory_space<vmem>>
        %dma_start3A_171 = arith.constant 0 : i32
        %dma_start3A_172 = arith.constant 0 : i32
        %dma_start3A_173 = tpu.memref_slice %arg2[%dma_start3A_171, %dma_start3A_172] : memref<1000000x128xf32, #tpu.memory_space<hbm>> -> memref<1000000x128xf32, #tpu.memory_space<hbm>>
        tpu.enqueue_indirect_dma source(%dma_start3A_173 : memref<1000000x128xf32, #tpu.memory_space<hbm>>) target(%arg8 : memref<200x128xf32, #tpu.memory_space<vmem>>) offsets(%dma_start3A_170 : memref<200xi32, #tpu.memory_space<vmem>>) semaphore(%arg12 : memref<!tpu.dma_semaphore, #tpu.memory_space<semaphore_mem>>)
      } else {
      }
      %parallel_loop3A_149 = arith.constant 0 : i32
      %parallel_loop3A_150 = arith.constant 200 : i32
      %parallel_loop3A_151 = arith.constant 1 : i32
      scf.for %parallel_loop3A_160 = %parallel_loop3A_149 to %parallel_loop3A_150 step %parallel_loop3A_151  : i32 {
        %parallel_loop3A_161 = arith.index_cast %parallel_loop3A_160 : i32 to index
        %parallel_loop3A_162 = arith.constant 0 : index
        %parallel_loop3A_163 = tpu.vector_load %arg9[%parallel_loop3A_161, %parallel_loop3A_162] {strides = array<i32>} : memref<200x128xf32, #tpu.memory_space<vmem>>, vector<1x16xf32>,
        %parallel_loop3A_164 = vector.shape_cast %parallel_loop3A_163 : vector<1x16xf32> to vector<16xf32>
        %parallel_loop3A_165 = arith.constant 8.000000e+00 : f32
        %parallel_loop3A_166 = vector.broadcast %parallel_loop3A_165 : f32 to vector<16xf32>
        %parallel_loop3A_167 = arith.mulf %parallel_loop3A_164, %parallel_loop3A_166 : vector<16xf32>
        %parallel_loop3A_168 = arith.index_cast %parallel_loop3A_160 : i32 to index
        %parallel_loop3A_169 = arith.constant 0 : index
        %parallel_loop3A_170 = tpu.vector_load %arg9[%parallel_loop3A_168, %parallel_loop3A_169] {strides = array<i32>} : memref<200x128xf32, #tpu.memory_space<vmem>>, vector<1x16xf32>,
        %parallel_loop3A_171 = vector.shape_cast %parallel_loop3A_170 : vector<1x16xf32> to vector<16xf32>
        %parallel_loop3A_172 = vector.shape_cast %parallel_loop3A_167 : vector<16xf32> to vector<1x16xf32>
        tpu.vector_store %arg9[%parallel_loop3A_168, %parallel_loop3A_169], %parallel_loop3A_172 {strides = array<i32>} : memref<200x128xf32, #tpu.memory_space<vmem>>, vector<1x16xf32>,
        %parallel_loop3A_173 = arith.index_cast %parallel_loop3A_160 : i32 to index
        %parallel_loop3A_174 = arith.constant 16 : index
        %parallel_loop3A_175 = tpu.vector_load %arg9[%parallel_loop3A_173, %parallel_loop3A_174] {strides = array<i32>} : memref<200x128xf32, #tpu.memory_space<vmem>>, vector<1x16xf32>,
        %parallel_loop3A_176 = vector.shape_cast %parallel_loop3A_175 : vector<1x16xf32> to vector<16xf32>
        %parallel_loop3A_177 = arith.constant 8.000000e+00 : f32
        %parallel_loop3A_178 = vector.broadcast %parallel_loop3A_177 : f32 to vector<16xf32>
        %parallel_loop3A_179 = arith.mulf %parallel_loop3A_176, %parallel_loop3A_178 : vector<16xf32>
        %parallel_loop3A_180 = arith.index_cast %parallel_loop3A_160 : i32 to index
        %parallel_loop3A_181 = arith.constant 16 : index
        %parallel_loop3A_182 = tpu.vector_load %arg9[%parallel_loop3A_180, %parallel_loop3A_181] {strides = array<i32>} : memref<200x128xf32, #tpu.memory_space<vmem>>, vector<1x16xf32>,
        %parallel_loop3A_183 = vector.shape_cast %parallel_loop3A_182 : vector<1x16xf32> to vector<16xf32>
        %parallel_loop3A_184 = vector.shape_cast %parallel_loop3A_179 : vector<16xf32> to vector<1x16xf32>
        tpu.vector_store %arg9[%parallel_loop3A_180, %parallel_loop3A_181], %parallel_loop3A_184 {strides = array<i32>} : memref<200x128xf32, #tpu.memory_space<vmem>>, vector<1x16xf32>,
        %parallel_loop3A_185 = arith.index_cast %parallel_loop3A_160 : i32 to index
        %parallel_loop3A_186 = arith.constant 32 : index
        %parallel_loop3A_187 = tpu.vector_load %arg9[%parallel_loop3A_185, %parallel_loop3A_186] {strides = array<i32>} : memref<200x128xf32, #tpu.memory_space<vmem>>, vector<1x16xf32>,
        %parallel_loop3A_188 = vector.shape_cast %parallel_loop3A_187 : vector<1x16xf32> to vector<16xf32>
        %parallel_loop3A_189 = arith.constant 8.000000e+00 : f32
        %parallel_loop3A_190 = vector.broadcast %parallel_loop3A_189 : f32 to vector<16xf32>
        %parallel_loop3A_191 = arith.mulf %parallel_loop3A_188, %parallel_loop3A_190 : vector<16xf32>
        %parallel_loop3A_192 = arith.index_cast %parallel_loop3A_160 : i32 to index
        %parallel_loop3A_193 = arith.constant 32 : index
        %parallel_loop3A_194 = tpu.vector_load %arg9[%parallel_loop3A_192, %parallel_loop3A_193] {strides = array<i32>} : memref<200x128xf32, #tpu.memory_space<vmem>>, vector<1x16xf32>,
        %parallel_loop3A_195 = vector.shape_cast %parallel_loop3A_194 : vector<1x16xf32> to vector<16xf32>
        %parallel_loop3A_196 = vector.shape_cast %parallel_loop3A_191 : vector<16xf32> to vector<1x16xf32>
        tpu.vector_store %arg9[%parallel_loop3A_192, %parallel_loop3A_193], %parallel_loop3A_196 {strides = array<i32>} : memref<200x128xf32, #tpu.memory_space<vmem>>, vector<1x16xf32>,
        %parallel_loop3A_197 = arith.index_cast %parallel_loop3A_160 : i32 to index
        %parallel_loop3A_198 = arith.constant 48 : index
        %parallel_loop3A_199 = tpu.vector_load %arg9[%parallel_loop3A_197, %parallel_loop3A_198] {strides = array<i32>} : memref<200x128xf32, #tpu.memory_space<vmem>>, vector<1x16xf32>,
        %parallel_loop3A_200 = vector.shape_cast %parallel_loop3A_199 : vector<1x16xf32> to vector<16xf32>
        %parallel_loop3A_201 = arith.constant 8.000000e+00 : f32
        %parallel_loop3A_202 = vector.broadcast %parallel_loop3A_201 : f32 to vector<16xf32>
        %parallel_loop3A_203 = arith.mulf %parallel_loop3A_200, %parallel_loop3A_202 : vector<16xf32>
        %parallel_loop3A_204 = arith.index_cast %parallel_loop3A_160 : i32 to index
        %parallel_loop3A_205 = arith.constant 48 : index
        %parallel_loop3A_206 = tpu.vector_load %arg9[%parallel_loop3A_204, %parallel_loop3A_205] {strides = array<i32>} : memref<200x128xf32, #tpu.memory_space<vmem>>, vector<1x16xf32>,
        %parallel_loop3A_207 = vector.shape_cast %parallel_loop3A_206 : vector<1x16xf32> to vector<16xf32>
        %parallel_loop3A_208 = vector.shape_cast %parallel_loop3A_203 : vector<16xf32> to vector<1x16xf32>
        tpu.vector_store %arg9[%parallel_loop3A_204, %parallel_loop3A_205], %parallel_loop3A_208 {strides = array<i32>} : memref<200x128xf32, #tpu.memory_space<vmem>>, vector<1x16xf32>,
      } {sc.loop_unroll_factor = 4 : i64, sc.parallel_access}
      %mul3A_152 = arith.constant 200 : i32
      %mul3A_153 = arith.muli %add3A_133, %mul3A_152 : i32
      %add3A_154 = arith.addi %mul3A_2, %mul3A_153 : i32
      %dma_start3A_155 = arith.constant 0 : i32
      %dma_start3A_156 = tpu.memref_slice %arg4[%add3A_154, %dma_start3A_155] : memref<819200x128xf32, #tpu.memory_space<hbm>> -> memref<200x128xf32, #tpu.memory_space<hbm>>
      %dma_start3A_157 = arith.constant 0 : i32
      %dma_start3A_158 = tpu.memref_slice %arg4[%add3A_154, %dma_start3A_157] : memref<819200x128xf32, #tpu.memory_space<hbm>> -> memref<200x128xf32, #tpu.memory_space<hbm>>
      tpu.enqueue_dma source(%arg9 : memref<200x128xf32, #tpu.memory_space<vmem>>) target(%dma_start3A_158 : memref<200x128xf32, #tpu.memory_space<hbm>>) target_semaphore(%arg17 : memref<!tpu.dma_semaphore, #tpu.memory_space<semaphore_mem>>)
      %scan3A_159 = arith.constant 0 : i32
      scf.yield %scan3A_159 : i32
    }
    %scan3A_22 = arith.constant 32 : i32
    %add3A_23 = arith.constant 24800 : i32
    %add3A_24 = arith.addi %mul3A_2, %add3A_23 : i32
    %dma_wait3A = arith.constant 0 : i32
    %dma_wait3A_25 = tpu.memref_slice %arg4[%add3A_24, %dma_wait3A] : memref<819200x128xf32, #tpu.memory_space<hbm>> -> memref<200x128xf32, #tpu.memory_space<hbm>>
    %dma_wait3A_26 = arith.constant 0 : i32
    %dma_wait3A_27 = tpu.memref_slice %arg4[%add3A_24, %dma_wait3A_26] : memref<819200x128xf32, #tpu.memory_space<hbm>> -> memref<200x128xf32, #tpu.memory_space<hbm>>
    tpu.wait_dma2 semaphore(%arg14 : memref<!tpu.dma_semaphore, #tpu.memory_space<semaphore_mem>>) src(%arg6 : memref<200x128xf32, #tpu.memory_space<vmem>>) dst(%dma_wait3A_27 : memref<200x128xf32, #tpu.memory_space<hbm>>)
    %add3A_28 = arith.constant 25000 : i32
    %add3A_29 = arith.addi %mul3A_2, %add3A_28 : i32
    %dma_wait3A_30 = arith.constant 0 : i32
    %dma_wait3A_31 = tpu.memref_slice %arg4[%add3A_29, %dma_wait3A_30] : memref<819200x128xf32, #tpu.memory_space<hbm>> -> memref<200x128xf32, #tpu.memory_space<hbm>>
    %dma_wait3A_32 = arith.constant 0 : i32
    %dma_wait3A_33 = tpu.memref_slice %arg4[%add3A_29, %dma_wait3A_32] : memref<819200x128xf32, #tpu.memory_space<hbm>> -> memref<200x128xf32, #tpu.memory_space<hbm>>
    tpu.wait_dma2 semaphore(%arg15 : memref<!tpu.dma_semaphore, #tpu.memory_space<semaphore_mem>>) src(%arg7 : memref<200x128xf32, #tpu.memory_space<vmem>>) dst(%dma_wait3A_33 : memref<200x128xf32, #tpu.memory_space<hbm>>)
    %add3A_34 = arith.constant 25200 : i32
    %add3A_35 = arith.addi %mul3A_2, %add3A_34 : i32
    %dma_wait3A_36 = arith.constant 0 : i32
    %dma_wait3A_37 = tpu.memref_slice %arg4[%add3A_35, %dma_wait3A_36] : memref<819200x128xf32, #tpu.memory_space<hbm>> -> memref<200x128xf32, #tpu.memory_space<hbm>>
    %dma_wait3A_38 = arith.constant 0 : i32
    %dma_wait3A_39 = tpu.memref_slice %arg4[%add3A_35, %dma_wait3A_38] : memref<819200x128xf32, #tpu.memory_space<hbm>> -> memref<200x128xf32, #tpu.memory_space<hbm>>
    tpu.wait_dma2 semaphore(%arg16 : memref<!tpu.dma_semaphore, #tpu.memory_space<semaphore_mem>>) src(%arg8 : memref<200x128xf32, #tpu.memory_space<vmem>>) dst(%dma_wait3A_39 : memref<200x128xf32, #tpu.memory_space<hbm>>)
    %add3A_40 = arith.constant 25400 : i32
    %add3A_41 = arith.addi %mul3A_2, %add3A_40 : i32
    %dma_wait3A_42 = arith.constant 0 : i32
    %dma_wait3A_43 = tpu.memref_slice %arg4[%add3A_41, %dma_wait3A_42] : memref<819200x128xf32, #tpu.memory_space<hbm>> -> memref<200x128xf32, #tpu.memory_space<hbm>>
    %dma_wait3A_44 = arith.constant 0 : i32
    %dma_wait3A_45 = tpu.memref_slice %arg4[%add3A_41, %dma_wait3A_44] : memref<819200x128xf32, #tpu.memory_space<hbm>> -> memref<200x128xf32, #tpu.memory_space<hbm>>
    tpu.wait_dma2 semaphore(%arg17 : memref<!tpu.dma_semaphore, #tpu.memory_space<semaphore_mem>>) src(%arg9 : memref<200x128xf32, #tpu.memory_space<vmem>>) dst(%dma_wait3A_45 : memref<200x128xf32, #tpu.memory_space<hbm>>)
    return
  }
}

</mosaic_0001>

<sc_bundles>
// kernel: _emb_call.3.cloned.1.call-start
scs
__scs_entry_jumppad:
0x0: {  	(pc) =	sbr.rel $0x88, $3  }
0x1: {  	(tag) =	ssettag $0x0;
	lr =	simm.s32 $0x1  }
0x2: {  	[smem:$0x3F9F] =	sst lr;
	_ =	strace $0xD0000000  }
0x3: {  	_ = 	snop  }
0x4: {  	_ = 	snop  }
0x5: {  	_ = 	snop  }
0x6: {  	_ = 	snop  }
0x7: {  	_ = 	snop  }
__scs_overlays_trampoline_lowered:
0x8: {  	[smem:$0x3FAE] =	sst s0  }
0x9: {  	[smem:$0x3FAF] =	sst s1  }
0xa: {  	[smem:$0x3FB0] =	sst s2  }
0xb: {  	[smem:$0x3FB1] =	sst s3  }
0xc: {  	[smem:$0x3FB2] =	sst s4  }
0xd: {  	[smem:$0x3FB3] =	sst s5  }
0xe: {  	[smem:$0x3FB4] =	sst s6  }
0xf: {  	[smem:$0x3FB5] =	sst s7  }
0x10: {  	[smem:$0x3FB6] =	sst s8  }
0x11: {  	[smem:$0x3FB7] =	sst s9;
	s0 =	simm.s32 @!p0 $0x0  }
0x12: {  	s1 =	sld [smem:$0x3F9D];
	s0 =	simm.s32 @p0 $0x1  }
0x13: {  	[smem:$0x3FB8] =	sst s0;
	s0 =	simm.s32 @!p1 $0x0  }
0x14: {  	s2 =	sld [smem:$0x3F9C];
	s0 =	simm.s32 @p1 $0x1  }
0x15: {  	[smem:$0x3FB9] =	sst s0;
	s0 =	simm.s32 @!p2 $0x0  }
0x16: {  	s3 =	sld [smem:$0x3FDB];
	s0 =	simm.s32 @p2 $0x1  }
0x17: {  	s4 =	simm.s32 $0x1BF5;
	[smem:$0x3FBB] =	sst s0  }
0x18: {  	s0 =	sld [smem:$0x3F9E];
	_ =	swait.ge [sflag:s4], $0x0  }
0x19: {  	s7 =	sld [smem:$0x3F9F]  }
0x1a: {  	s8 =	sadd.s32 $0xFFFFE003, lr  }
0x1b: {  	s9 =	sadd.s32 $0xFFFFFEF7, lr;
	s5 =	simm.s32 $0xFFFFFFFF;
	p2 =	slt.u32 s8, $0xFFFFF086  }
0x1c: {  	p1 =	slt.u32 s9, $0xF7A;
	s5 =	simm.s32 @!p2 $0x0  }
0x1d: {  	s5 =	simm.s32 @p1 $0x1;
	p0 =	seq.s32 s7, s2  }
0x1e: {  	s7 =	smul.u32 @!p0 $0xF7A, s2;
	p2 =	seq.s32 @!p0 s5, $0x0  }
0x1f: {  	s9 =	smul.u32 $0xF7A, s1;
	s8 =	simm.s32 @!p0 $0x1BF5;
	p2 =	por !p2, p0  }
0x20: {  	[sflag:s8] =	ssyncset.s32 @!p0 $0xFFFFF086;
	s6 =	sadd.s32 @!p0 s3, s7;
	s7 =	simm.s32 @!p0 $0x108  }
0x21: {  	s3 =	sadd.s32 s3, s9;
	s6 =	sadd.s32 @!p0 $0x88, s6;
	s7 =	simm.s32 @p2 $0x1082  }
0x22: {  	[simem:s7], [sflag:s8] =	dma.local @!p0 [hbm:s6], $0xF7A  }
0x23: {  	s9 =	sor.u32 $0xD0000000, s2;
	s6 =	simm.s32 $0x108;
	_ =	swait.ge @!p0 [sflag:s8], $0x0  }
0x24: {  	s3 =	sadd.s32 $0x88, s3;
	s6 =	simm.s32 @!p1 $0x1082;
	[sflag:s4] =	ssyncset.s32 $0xFFFFF086  }
0x25: {  	[simem:s6], [sflag:s4] =	dma.local [hbm:s3], $0xF7A  }
0x26: {  	[smem:$0x3F9F] =	sst s1;
	(tag) =	ssettag s2;
	_ =	strace s9  }
0x27: {  	s1 =	sld [smem:$0x3FAF]  }
0x28: {  	s2 =	sld [smem:$0x3FB0]  }
0x29: {  	s4 =	sld [smem:$0x3FB2]  }
0x2a: {  	p0 =	seq.s32 s5, $0x0;
	s5 =	sld [smem:$0x3FB3]  }
0x2b: {  	s6 =	sld [smem:$0x3FB4]  }
0x2c: {  	s7 =	sld [smem:$0x3FB5]  }
0x2d: {  	s3 =	simm.s32 $0x108;
	s8 =	sld [smem:$0x3FB6]  }
0x2e: {  	s3 =	simm.s32 @!p0 $0x1082;
	s9 =	sld [smem:$0x3FB7]  }
0x2f: {  	lr =	sadd.s32 s0, s3;
	s0 =	sld [smem:$0x3FAE]  }
0x30: {  	s3 =	sld [smem:$0x3FB1]  }
0x31: {  	[smem:$0x3FBA] =	sst s10  }
0x32: {  	s10 =	sld [smem:$0x3FB8];
	_ =	sdelay $0x3  }
0x33: {  	p0 =	seq.s32 s10, $0x1;
	s10 =	sld [smem:$0x3FBA];
	_ =	sdelay $0x3  }
0x34: {  	[smem:$0x3FBA] =	sst s10  }
0x35: {  	s10 =	sld [smem:$0x3FB9];
	_ =	sdelay $0x3  }
0x36: {  	p1 =	seq.s32 s10, $0x1;
	s10 =	sld [smem:$0x3FBA];
	_ =	sdelay $0x3  }
0x37: {  	[smem:$0x3FBA] =	sst s10  }
0x38: {  	s10 =	sld [smem:$0x3FBB]  }
0x39: {  	_ = 	snop;
	(pc) =	sbr.ind lr, $3  }
0x3a: {  	_ = 	snop  }
0x3b: {  	_ = 	snop  }
0x3c: {  	p2 =	seq.s32 s10, $0x1;
	s10 =	sld [smem:$0x3FBA]  }
0x3d: {  	_ =	shalt  }
0x3e: {  	_ =	shalt  }
0x3f: {  	_ =	shalt  }
0x40: {  	_ =	shalt  }
0x41: {  	_ =	shalt  }
0x42: {  	_ =	shalt  }
0x43: {  	_ =	shalt  }
0x44: {  	_ =	shalt  }
0x45: {  	_ =	shalt  }
0x46: {  	_ =	shalt  }
0x47: {  	_ =	shalt  }
0x48: {  	_ =	shalt  }
0x49: {  	_ =	shalt  }
0x4a: {  	_ =	shalt  }
0x4b: {  	_ =	shalt  }
0x4c: {  	_ =	shalt  }
0x4d: {  	_ =	shalt  }
0x4e: {  	_ =	shalt  }
0x4f: {  	_ =	shalt  }
0x50: {  	_ =	shalt  }
0x51: {  	_ =	shalt  }
0x52: {  	_ =	shalt  }
0x53: {  	_ =	shalt  }
0x54: {  	_ =	shalt  }
0x55: {  	_ =	shalt  }
0x56: {  	_ =	shalt  }
0x57: {  	_ =	shalt  }
0x58: {  	_ =	shalt  }
0x59: {  	_ =	shalt  }
0x5a: {  	_ =	shalt  }
0x5b: {  	_ =	shalt  }
0x5c: {  	_ =	shalt  }
0x5d: {  	_ =	shalt  }
0x5e: {  	_ =	shalt  }
0x5f: {  	_ =	shalt  }
0x60: {  	_ =	shalt  }
0x61: {  	_ =	shalt  }
0x62: {  	_ =	shalt  }
0x63: {  	_ =	shalt  }
0x64: {  	_ =	shalt  }
0x65: {  	_ =	shalt  }
0x66: {  	_ =	shalt  }
0x67: {  	_ =	shalt  }
0x68: {  	_ =	shalt  }
0x69: {  	_ =	shalt  }
0x6a: {  	_ =	shalt  }
0x6b: {  	_ =	shalt  }
0x6c: {  	_ =	shalt  }
0x6d: {  	_ =	shalt  }
0x6e: {  	_ =	shalt  }
0x6f: {  	_ =	shalt  }
0x70: {  	_ =	shalt  }
0x71: {  	_ =	shalt  }
0x72: {  	_ =	shalt  }
0x73: {  	_ =	shalt  }
0x74: {  	_ =	shalt  }
0x75: {  	_ =	shalt  }
0x76: {  	_ =	shalt  }
0x77: {  	_ =	shalt  }
0x78: {  	_ =	shalt  }
0x79: {  	_ =	shalt  }
0x7a: {  	_ =	shalt  }
0x7b: {  	_ =	shalt  }
0x7c: {  	_ =	shalt  }
0x7d: {  	_ =	shalt  }
0x7e: {  	_ =	shalt  }
0x7f: {  	_ =	shalt  }
0x80: {  	_ =	shalt  }
0x81: {  	_ =	shalt  }
0x82: {  	_ =	shalt  }
0x83: {  	_ =	shalt  }
0x84: {  	_ =	shalt  }
0x85: {  	_ =	shalt  }
0x86: {  	_ =	shalt  }
0x87: {  	_ =	shalt  }
.Lfunc_end0:
.L_simem_size_0:
called_computation.1_lowered:
.L_overlay_start_0:
0x88: {  	s2 =	sld [smem:$0x3FD9]  }
0x89: {  	s3 =	sld [smem:$0x3FFE];
	_ =	sdelay $0x1  }
0x8a: {  	s1 =	srdreg.scid  }
0x8b: {  	s0 =	sand.u32 $0x1, s1  }
0x8c: {  	s17 =	sshll.u32 s0, $0xA;
	s2 =	sadd.s32 s3, s2  }
0x8d: {  	s2 =	sadd.s32 s2, s17  }
0x8e: {  	[smem:$0x3FC6] =	sst s2  }
0x8f: {  	_ = 	snop  }
0x90: {  	s2 =	sld [smem:$0x3FC9];
	(tm) =	ssettm $0x1  }
0x91: {  	s18 =	sld [smem:$0x3FFB];
	_ =	sdelay $0x3  }
0x92: {  	_ =	strace s18  }
0x93: {  	s3 =	sld [smem:$0x3FFC];
	_ =	sdelay $0x3  }
0x94: {  	_ =	strace s3  }
0x95: {  	s3 =	sld [smem:$0x3FFD];
	_ =	sdelay $0x3  }
0x96: {  	_ =	strace s3  }
0x97: {  	_ =	strace $0x8FFFFFFF  }
0x98: {  	s19 =	sld [smem:$0x3FDB];
	_ =	sdelay $0x1  }
0x99: {  	s4 =	simm.s32 $_scs_section_size  }
0x9a: {  	s5 =	simm.s32 $_size__tile_overlayer_lowered;
	s6 =	simm.s32 $_tile_overlayer_lowered  }
0x9b: {  	s22 =	simm.s32 $0x1BFF;
	s21 =	sshll.u32 s6, $0x1;
	s3 =	sadd.s32 s4, s19  }
0x9c: {  	s7 =	simm.s32 $0x0;
	s20 =	sshll.u32 s5, $0x1;
	s5 =	sadd.s32 s21, s3  }
0x9d: {  	[timem:s7], [sflag:s22] =	dma.local [hbm:s5], s20  }
0x9e: {  	_ =	swait.ge [sflag:s22], s20  }
0x9f: {  	s4 =	ssub.s32 $0x0, s20;
	[sflag:s22] =	ssyncset.done $0x0  }
0xa0: {  	[sflag:s22] =	ssyncadd.s32 s4;
	_ =	sdelay $0x1  }
0xa1: {  	s23 =	simm.s32 $0x1B8B  }
0xa2: {  	_ =	swait.ge [sflag:s23], $0x1  }
0xa3: {  	[sflag:s23] =	ssyncset.done $0x0  }
0xa4: {  	s25 =	simm.s32 $0x1B8E;
	s24 =	sld [smem:$0x3FFE];
	[sflag:s23] =	ssyncadd.s32 $0xFFFFFFFF  }
0xa5: {  	s26 =	simm.s32 $execute0_lowered;
	[smem:$0x3FD2] =	sst s25  }
0xa6: {  	s5 =	sshll.u32 s26, $0x1;
	_ =	strace $0x80000046;
	[dreg:$0x1] =	wrdreg $0xFFFFFFFF  }
0xa7: {  	s28 =	simm.s32 $_size_execute0_lowered;
	s3 =	sadd.s32 s3, s5;
	[dreg:$0x0] =	wrdreg $0x0  }
0xa8: {  	s5 =	sshll.u32 s28, $0x1;
	[dreg:$0x2] =	wrdreg s3  }
0xa9: {  	[dreg:$0x3] =	wrdreg s5  }
0xaa: {  	[dreg:$0x4] =	wrdreg $0xC0  }
0xab: {  	_ =	task [dreg:s7], $0x5FFFF  }
0xac: {  	[dreg:$0x1] =	wrdreg $0xFFFFFFFF  }
0xad: {  	[dreg:$0x0] =	wrdreg $0x60  }
0xae: {  	[dreg:$0x2] =	wrdreg s24  }
0xaf: {  	[dreg:$0x3] =	wrdreg s2  }
0xb0: {  	[dreg:$0x4] =	wrdreg $0x9  }
0xb1: {  	_ =	task.clear_ibuf [dreg:s7], $0x5FFFF;
	_ =	strace $0x90000046  }
0xb2: {  	s29 =	simm.s32 $0x9;
	_ =	strace $0x80000048  }
0xb3: {  	_ =	swait.ge [sflag:s29], $0x1  }
0xb4: {  	[sflag:s29] =	ssyncadd.s32 $0xFFFFFFFF  }
0xb5: {  	_ =	strace $0x90000048  }
0xb6: {  	_ =	sfence  }
0xb7: {  	s30 =	sld [smem:$0x0];
	_ =	sdelay $0x2  }
0xb8: {  	s31 =	sshll.u32 s1, $0xD;
	s1 =	sshrl.u32 s1, $0x2  }
0xb9: {  	s3 =	sand.u32 $0x4000, s31;
	s1 =	sadd.s32 s1, s30  }
0xba: {  	s0 =	sor.u32 s3, s0;
	s1 =	sshll.u32 s1, $0x11  }
0xbb: {  	s0 =	sor.u32 s1, s0  }
0xbc: {  	s0 =	sadd.s32 $0x8F2B, s0  }
0xbd: {  	[sflag:s0] =	ssyncadd.remote.s32 $0x1  }
0xbe: {  	_ =	sfence.sel $0xFFFF  }
0xbf: {  	[dreg:$0x0] =	wrdreg $0xFFFFFFFF;
	(pc) =	sbr.abs _section_cstart, $3  }
0xc0: {  	[dreg:$0x1] =	wrdreg $0xFFFFFFFF  }
0xc1: {  	_ =	task.clear_ibuf [dreg:s7], $0x2FFFF;
	_ =	strace $0x9FFFFFFF  }
0xc2: {  	(tm) =	ssettm $0x7FFFFFFF  }
0xc3: {  	_ =	shalt  }
tec
execute0_lowered:
.L_overlay_start_1:
0x0: {  	(tag) =	ssettag $0x1  }
0x1: {  	s0 =	rddreg [dreg:$0x0];
	s1 =	srdreg.scid  }
0x2: {  	s2 =	stileid.u32;
	s6 =	rddreg [dreg:$0x1]  }
0x3: {  	s10 =	simm.s32 $0x9;
	s11 =	simm.s32 $0xC8;
	s12 =	simm.s32 $0x6400  }
0x4: {  	s13 =	simm.s32 $0xC800;
	s14 =	simm.s32 $0x190;
	s15 =	simm.s32 $0x12C00  }
0x5: {  	s16 =	simm.s32 $0x1;
	s17 =	simm.s32 $0x19000;
	s18 =	simm.s32 $0x2  }
0x6: {  	s19 =	simm.s32 $0x3;
	s20 =	simm.s32 $0x4;
	s21 =	simm.s32 $0x5  }
0x7: {  	s22 =	simm.s32 $0x6;
	s23 =	simm.s32 $0x7;
	s24 =	simm.s32 $0x8  }
0x8: {  	s25 =	simm.s32 $0x0;
	s1 =	sand.u32 $0x1, s1;
	s3 =	sshll.u32 s2, $0x1  }
0x9: {  	s2 =	simm.s32 $0x0;
	s4 =	sadd.s32 $0xF42C00, s0;
	s3 =	sor.u32 s1, s3  }
0xa: {  	[smem:$0x7FF] =	sst s2;
	s1 =	ssub.s32 $0x2, s1;
	s3 =	smul.u32 $0x6400, s3  }
0xb: {  	s5 =	sadd.s32 $0x800, s0;
	_ =	strace $0x80000047;
	s31 =	sshrl.u32 s1, $0x1  }
0xc: {  	s0 =	ssub.s32 s1, s31;
	s7 =	sshrl.u32 s3, $0x3;
	s8 =	sor.u32 $0x190, s3  }
0xd: {  	s9 =	smax.u32 s0, $0x1;
	s6 =	sadd.s32 s6, s7;
	s7 =	sor.u32 $0xC8, s3  }
.LBB2_1:
0xe: {  	[tilespmem:s2], [sflag:$0x9] =	stream.linear.gather [hbm4b:s6+s2], $0x6400, $0x38;
	[tilespmem:$0x1F400] =	vst v63  }
0xf: {  	_ =	swait.ge [sflag:s10], $0x6400  }
0x10: {  	[sflag:s10] =	ssyncset.done $0x0  }
0x11: {  	[sflag:s10] =	ssyncadd.s32 $0xFFFF9C00  }
0x12: {  	[tilespmem:s12], [sflag:$0x1] =	stream.indirect.gather [hbm4b:s4+s11], $0x80, s2, s11, $0xb8;
	[tilespmem:$0x1F400] =	vst v63  }
0x13: {  	_ = 	snop  }
0x14: {  	[tilespmem:s13], [sflag:$0x2] =	stream.indirect.gather [hbm4b:s4+s11], $0x80, s11, s11, $0xb8;
	[tilespmem:$0x1F400] =	vst v63  }
0x15: {  	s26 =	simm.s32 $0x0  }
0x16: {  	[tilespmem:s15], [sflag:$0x3] =	stream.indirect.gather [hbm4b:s4+s11], $0x80, s14, s11, $0xb8;
	[tilespmem:$0x1F400] =	vst v63  }
.LBB2_2:
0x17: {  	_ =	swait.ge [sflag:s16], $0x6400  }
0x18: {  	p0 =	seq.s32 s26, $0x0;
	[sflag:s16] =	ssyncset.done $0x0  }
0x19: {  	s28 =	sshllo.u32 s26, $0x2;
	s0 =	simm.s32 @!p0 $0x8;
	[sflag:s16] =	ssyncadd.s32 $0xFFFF9C00  }
0x1a: {  	s1 =	smul.u32 $0x320, s28;
	_ =	swait.ge @!p0 [sflag:s0], $0x6400  }
0x1b: {  	[sflag:s0] =	ssyncset.done @!p0 $0x0  }
0x1c: {  	s30 =	simm.s32 $0x6500;
	s31 =	sshra.s32 s1, $0x2;
	[sflag:s0] =	ssyncadd.s32 @!p0 $0xFFFF9C00  }
0x1d: {  	[tilespmem:s17], [sflag:$0x4] =	stream.indirect.gather [hbm4b:s4+s11], $0x80, s31, s11, $0xb8;
	[tilespmem:$0x1F400] =	vst v63  }
0x1e: {  	v0 =	vld [tilespmem:s30+$0xB0]  }
0x1f: {  	v1 =	vld [tilespmem:s30+$0xFFFFFF10]  }
0x20: {  	v2 =	vld [tilespmem:s30+$0xFFFFFF20]  }
0x21: {  	v3 =	vld [tilespmem:s30+$0xFFFFFF30]  }
0x22: {  	v4 =	vld [tilespmem:s30+$0xFFFFFF80]  }
0x23: {  	v5 =	vld [tilespmem:s30+$0xFFFFFF90];
	v0 =	vmul.f32 $8.000000000e+00, v0  }
0x24: {  	v6 =	vld [tilespmem:s30+$0xFFFFFFA0];
	v1 =	vmul.f32 $8.000000000e+00, v1  }
0x25: {  	v7 =	vld [tilespmem:s30+$0xFFFFFFB0];
	v2 =	vmul.f32 $8.000000000e+00, v2;
	[tilespmem:s30+$0xB0] =	vst v0  }
0x26: {  	[tilespmem:s30+$0xFFFFFF10] =	vst v1;
	v0 =	vmul.f32 $8.000000000e+00, v3;
	v3 =	vld [tilespmem:s30+$0x0]  }
0x27: {  	[tilespmem:s30+$0xFFFFFF20] =	vst v2;
	v1 =	vmul.f32 $8.000000000e+00, v4;
	v4 =	vld [tilespmem:s30+$0x10]  }
0x28: {  	v8 =	vld [tilespmem:s30+$0x20];
	v2 =	vmul.f32 $8.000000000e+00, v5;
	[tilespmem:s30+$0xFFFFFF30] =	vst v0  }
0x29: {  	v5 =	vmul.f32 $8.000000000e+00, v6;
	[tilespmem:s30+$0xFFFFFF80] =	vst v1;
	v0 =	vld [tilespmem:s30+$0x30]  }
0x2a: {  	[tilespmem:s30+$0xFFFFFF90] =	vst v2;
	v2 =	vmul.f32 $8.000000000e+00, v7;
	v1 =	vld [tilespmem:s30+$0x80]  }
0x2b: {  	[tilespmem:s30+$0xFFFFFFA0] =	vst v5;
	v6 =	vmul.f32 $8.000000000e+00, v3;
	v3 =	vld [tilespmem:s30+$0x90]  }
0x2c: {  	[tilespmem:s30+$0xFFFFFFB0] =	vst v2;
	v2 =	vld [tilespmem:s30+$0xA0];
	v5 =	vmul.f32 $8.000000000e+00, v4  }
0x2d: {  	s29 =	simm.s32 $0x0;
	s1 =	simm.s32 $0x6700;
	v4 =	vld [tilespmem:s30+$0xFFFFFF00];
	[tilespmem:s30+$0x0] =	vst v6;
	v6 =	vmul.f32 $8.000000000e+00, v8  }
.LBB2_3:
0x2e: {  	v7 =	vld [tilespmem:s1+$0xB0];
	s29 =	sadd.s32 $0x4, s29;
	[tilespmem:s30+$0x10] =	vst v5;
	v0 =	vmul.f32 $8.000000000e+00, v0  }
0x2f: {  	v5 =	vld [tilespmem:s1+$0xFFFFFF10];
	p0 =	slt.u32 s29, $0xC4;
	[tilespmem:s30+$0x20] =	vst v6;
	v1 =	vmul.f32 $8.000000000e+00, v1  }
0x30: {  	v6 =	vld [tilespmem:s1+$0xFFFFFF20];
	[tilespmem:s30+$0x30] =	vst v0;
	v0 =	vmul.f32 $8.000000000e+00, v3  }
0x31: {  	v3 =	vld [tilespmem:s1+$0xFFFFFF30];
	[tilespmem:s30+$0x80] =	vst v1;
	v1 =	vmul.f32 $8.000000000e+00, v2  }
0x32: {  	v2 =	vld [tilespmem:s1+$0xFFFFFF80];
	v4 =	vmul.f32 $8.000000000e+00, v4;
	[tilespmem:s30+$0x90] =	vst v0  }
0x33: {  	v0 =	vld [tilespmem:s1+$0xFFFFFF90];
	v7 =	vmul.f32 $8.000000000e+00, v7;
	[tilespmem:s30+$0xA0] =	vst v1  }
0x34: {  	v1 =	vmul.f32 $8.000000000e+00, v5;
	v5 =	vld [tilespmem:s1+$0xFFFFFFA0];
	[tilespmem:s30+$0xFFFFFF00] =	vst v4;
	s30 =	smov.u32 s1  }
0x35: {  	v4 =	vmul.f32 $8.000000000e+00, v6;
	v6 =	vld [tilespmem:s1+$0xFFFFFFB0];
	[tilespmem:s1+$0xB0] =	vst v7  }
0x36: {  	[tilespmem:s1+$0xFFFFFF10] =	vst v1;
	v1 =	vmul.f32 $8.000000000e+00, v3;
	v3 =	vld [tilespmem:s1+$0x0]  }
0x37: {  	[tilespmem:s1+$0xFFFFFF20] =	vst v4;
	v2 =	vmul.f32 $8.000000000e+00, v2;
	v4 =	vld [tilespmem:s1+$0x10]  }
0x38: {  	[tilespmem:s1+$0xFFFFFF30] =	vst v1;
	v1 =	vmul.f32 $8.000000000e+00, v0;
	v7 =	vld [tilespmem:s1+$0x20]  }
.Ltmp0:
0x39: {  	[tilespmem:s1+$0xFFFFFF80] =	vst v2;
	v2 =	vmul.f32 $8.000000000e+00, v5;
	v0 =	vld [tilespmem:s1+$0x30];
	(pc) =	sbr.rel @p0 .LBB2_3-.Ltmp0, $4  }
0x3a: {  	[tilespmem:s1+$0xFFFFFF90] =	vst v1;
	v5 =	vmul.f32 $8.000000000e+00, v6;
	v1 =	vld [tilespmem:s1+$0x80]  }
0x3b: {  	[tilespmem:s1+$0xFFFFFFA0] =	vst v2;
	v6 =	vmul.f32 $8.000000000e+00, v3;
	v3 =	vld [tilespmem:s1+$0x90]  }
0x3c: {  	[tilespmem:s1+$0xFFFFFFB0] =	vst v5;
	v5 =	vmul.f32 $8.000000000e+00, v4;
	v2 =	vld [tilespmem:s1+$0xA0]  }
0x3d: {  	s1 =	sadd.s32 $0x200, s1;
	v4 =	vld [tilespmem:s30+$0xFFFFFF00];
	[tilespmem:s30+$0x0] =	vst v6;
	v6 =	vmul.f32 $8.000000000e+00, v7  }
0x3e: {  	[tilespmem:s30+$0x10] =	vst v5;
	v0 =	vmul.f32 $8.000000000e+00, v0  }
0x3f: {  	[tilespmem:s30+$0x20] =	vst v6;
	v1 =	vmul.f32 $8.000000000e+00, v1  }
0x40: {  	s29 =	smul.u32 $0x320, s26;
	[tilespmem:s30+$0x30] =	vst v0;
	v0 =	vmul.f32 $8.000000000e+00, v3  }
0x41: {  	[tilespmem:s30+$0x80] =	vst v1;
	v1 =	vmul.f32 $8.000000000e+00, v2  }
0x42: {  	s0 =	sadd.s32 s3, s29;
	v2 =	vmul.f32 $8.000000000e+00, v4;
	[tilespmem:s30+$0x90] =	vst v0  }
0x43: {  	s0 =	sshll.u32 s0, $0x4;
	[tilespmem:s30+$0xA0] =	vst v1  }
0x44: {  	s0 =	sadd.s32 s5, s0;
	[tilespmem:s30+$0xFFFFFF00] =	vst v2  }
0x45: {  	[hbm4b:s0+s2] =	stream.linear.scatter [tilespmem:s12], [sflag:$0x5], $0x6400, $0x38;
	[tilespmem:$0x1F400] =	vst v63  }
0x46: {  	_ =	swait.ge [sflag:s18], $0x6400  }
0x47: {  	p0 =	seq.s32 s26, $0x1F;
	[sflag:s18] =	ssyncset.done $0x0  }
0x48: {  	s1 =	smul.u32 @!p0 $0xC80, s26;
	s0 =	simm.s32 @!p0 $0x5;
	[sflag:s18] =	ssyncadd.s32 $0xFFFF9C00  }
0x49: {  	_ =	swait.ge @!p0 [sflag:s0], $0x6400  }
0x4a: {  	s31 =	simm.s32 @!p0 $0x6400;
	s30 =	sshra.s32 @!p0 s1, $0x2;
	[sflag:s0] =	ssyncset.done @!p0 $0x0  }
0x4b: {  	s1 =	simm.s32 @!p0 $0xC8;
	[sflag:s0] =	ssyncadd.s32 @!p0 $0xFFFF9C00;
	s0 =	sadd.s32 @!p0 $0x320, s30  }
0x4c: {  	[tilespmem:s31], [sflag:$0x1] =	stream.indirect.gather @!p0 [hbm4b:s4+s1], $0x80, s0, s1, $0xb8;
	[tilespmem:$0x1F400] =	vst v63  }
0x4d: {  	s31 =	simm.s32 $0xC900  }
0x4e: {  	v0 =	vld [tilespmem:s31+$0xB0]  }
0x4f: {  	v1 =	vld [tilespmem:s31+$0xFFFFFF10]  }
0x50: {  	v2 =	vld [tilespmem:s31+$0xFFFFFF20]  }
0x51: {  	v3 =	vld [tilespmem:s31+$0xFFFFFF30]  }
0x52: {  	v4 =	vld [tilespmem:s31+$0xFFFFFF80]  }
0x53: {  	v5 =	vld [tilespmem:s31+$0xFFFFFF90];
	v0 =	vmul.f32 $8.000000000e+00, v0  }
0x54: {  	v6 =	vld [tilespmem:s31+$0xFFFFFFA0];
	v1 =	vmul.f32 $8.000000000e+00, v1  }
0x55: {  	v7 =	vld [tilespmem:s31+$0xFFFFFFB0];
	v2 =	vmul.f32 $8.000000000e+00, v2;
	[tilespmem:s31+$0xB0] =	vst v0  }
0x56: {  	[tilespmem:s31+$0xFFFFFF10] =	vst v1;
	v0 =	vmul.f32 $8.000000000e+00, v3;
	v3 =	vld [tilespmem:s31+$0x0]  }
0x57: {  	[tilespmem:s31+$0xFFFFFF20] =	vst v2;
	v1 =	vmul.f32 $8.000000000e+00, v4;
	v4 =	vld [tilespmem:s31+$0x10]  }
0x58: {  	v8 =	vld [tilespmem:s31+$0x20];
	v2 =	vmul.f32 $8.000000000e+00, v5;
	[tilespmem:s31+$0xFFFFFF30] =	vst v0  }
0x59: {  	v5 =	vmul.f32 $8.000000000e+00, v6;
	[tilespmem:s31+$0xFFFFFF80] =	vst v1;
	v0 =	vld [tilespmem:s31+$0x30]  }
0x5a: {  	v6 =	vmul.f32 $8.000000000e+00, v7;
	[tilespmem:s31+$0xFFFFFF90] =	vst v2;
	v1 =	vld [tilespmem:s31+$0x80]  }
0x5b: {  	[tilespmem:s31+$0xFFFFFFA0] =	vst v5;
	v2 =	vld [tilespmem:s31+$0x90];
	v7 =	vmul.f32 $8.000000000e+00, v3  }
0x5c: {  	[tilespmem:s31+$0xFFFFFFB0] =	vst v6;
	v3 =	vld [tilespmem:s31+$0xA0];
	v5 =	vmul.f32 $8.000000000e+00, v4  }
0x5d: {  	s1 =	simm.s32 $0x0;
	s0 =	simm.s32 $0xCB00;
	v6 =	vmul.f32 $8.000000000e+00, v8;
	v4 =	vld [tilespmem:s31+$0xFFFFFF00];
	[tilespmem:s31+$0x0] =	vst v7  }
.LBB2_5:
0x5e: {  	v7 =	vld [tilespmem:s0+$0xB0];
	s1 =	sadd.s32 $0x4, s1;
	[tilespmem:s31+$0x10] =	vst v5;
	v0 =	vmul.f32 $8.000000000e+00, v0  }
0x5f: {  	v5 =	vld [tilespmem:s0+$0xFFFFFF10];
	p1 =	slt.u32 s1, $0xC4;
	[tilespmem:s31+$0x20] =	vst v6;
	v1 =	vmul.f32 $8.000000000e+00, v1  }
0x60: {  	v6 =	vld [tilespmem:s0+$0xFFFFFF20];
	[tilespmem:s31+$0x30] =	vst v0;
	v0 =	vmul.f32 $8.000000000e+00, v2  }
0x61: {  	v2 =	vld [tilespmem:s0+$0xFFFFFF30];
	[tilespmem:s31+$0x80] =	vst v1;
	v1 =	vmul.f32 $8.000000000e+00, v3  }
0x62: {  	v3 =	vld [tilespmem:s0+$0xFFFFFF80];
	v4 =	vmul.f32 $8.000000000e+00, v4;
	[tilespmem:s31+$0x90] =	vst v0  }
0x63: {  	v0 =	vld [tilespmem:s0+$0xFFFFFF90];
	v7 =	vmul.f32 $8.000000000e+00, v7;
	[tilespmem:s31+$0xA0] =	vst v1  }
0x64: {  	v1 =	vmul.f32 $8.000000000e+00, v5;
	v5 =	vld [tilespmem:s0+$0xFFFFFFA0];
	[tilespmem:s31+$0xFFFFFF00] =	vst v4;
	s31 =	smov.u32 s0  }
0x65: {  	v4 =	vmul.f32 $8.000000000e+00, v6;
	v6 =	vld [tilespmem:s0+$0xFFFFFFB0];
	[tilespmem:s0+$0xB0] =	vst v7  }
0x66: {  	[tilespmem:s0+$0xFFFFFF10] =	vst v1;
	v1 =	vmul.f32 $8.000000000e+00, v2;
	v2 =	vld [tilespmem:s0+$0x0]  }
0x67: {  	[tilespmem:s0+$0xFFFFFF20] =	vst v4;
	v3 =	vmul.f32 $8.000000000e+00, v3;
	v4 =	vld [tilespmem:s0+$0x10]  }
0x68: {  	[tilespmem:s0+$0xFFFFFF30] =	vst v1;
	v1 =	vmul.f32 $8.000000000e+00, v0;
	v7 =	vld [tilespmem:s0+$0x20]  }
.Ltmp1:
0x69: {  	[tilespmem:s0+$0xFFFFFF80] =	vst v3;
	v3 =	vmul.f32 $8.000000000e+00, v5;
	v0 =	vld [tilespmem:s0+$0x30];
	(pc) =	sbr.rel @p1 .LBB2_5-.Ltmp1, $4  }
0x6a: {  	[tilespmem:s0+$0xFFFFFF90] =	vst v1;
	v5 =	vmul.f32 $8.000000000e+00, v6;
	v1 =	vld [tilespmem:s0+$0x80]  }
0x6b: {  	[tilespmem:s0+$0xFFFFFFA0] =	vst v3;
	v6 =	vmul.f32 $8.000000000e+00, v2;
	v2 =	vld [tilespmem:s0+$0x90]  }
0x6c: {  	[tilespmem:s0+$0xFFFFFFB0] =	vst v5;
	v5 =	vmul.f32 $8.000000000e+00, v4;
	v3 =	vld [tilespmem:s0+$0xA0]  }
0x6d: {  	s0 =	sadd.s32 $0x200, s0;
	v4 =	vld [tilespmem:s31+$0xFFFFFF00];
	[tilespmem:s31+$0x0] =	vst v6;
	v6 =	vmul.f32 $8.000000000e+00, v7  }
0x6e: {  	[tilespmem:s31+$0x10] =	vst v5;
	v0 =	vmul.f32 $8.000000000e+00, v0  }
0x6f: {  	[tilespmem:s31+$0x20] =	vst v6;
	v1 =	vmul.f32 $8.000000000e+00, v1  }
0x70: {  	[tilespmem:s31+$0x30] =	vst v0;
	v0 =	vmul.f32 $8.000000000e+00, v2  }
0x71: {  	[tilespmem:s31+$0x80] =	vst v1;
	v1 =	vmul.f32 $8.000000000e+00, v3  }
0x72: {  	s0 =	sadd.s32 s29, s7;
	v2 =	vmul.f32 $8.000000000e+00, v4;
	[tilespmem:s31+$0x90] =	vst v0  }
0x73: {  	s0 =	sshll.u32 s0, $0x4;
	[tilespmem:s31+$0xA0] =	vst v1  }
0x74: {  	s0 =	sadd.s32 s5, s0;
	[tilespmem:s31+$0xFFFFFF00] =	vst v2  }
0x75: {  	[hbm4b:s0+s2] =	stream.linear.scatter [tilespmem:s13], [sflag:$0x6], $0x6400, $0x38;
	[tilespmem:$0x1F400] =	vst v63  }
0x76: {  	_ =	swait.ge [sflag:s19], $0x6400  }
0x77: {  	[sflag:s19] =	ssyncset.done $0x0  }
0x78: {  	s0 =	simm.s32 @!p0 $0x6;
	[sflag:s19] =	ssyncadd.s32 $0xFFFF9C00  }
0x79: {  	_ =	swait.ge @!p0 [sflag:s0], $0x6400  }
0x7a: {  	s1 =	simm.s32 @!p0 $0xC8;
	[sflag:s0] =	ssyncset.done @!p0 $0x0  }
0x7b: {  	s31 =	simm.s32 @!p0 $0xC800;
	[sflag:s0] =	ssyncadd.s32 @!p0 $0xFFFF9C00;
	s0 =	sadd.s32 @!p0 $0x3E8, s30  }
0x7c: {  	[tilespmem:s31], [sflag:$0x2] =	stream.indirect.gather @!p0 [hbm4b:s4+s1], $0x80, s0, s1, $0xb8;
	[tilespmem:$0x1F400] =	vst v63  }
0x7d: {  	s31 =	simm.s32 $0x12D00  }
0x7e: {  	v0 =	vld [tilespmem:s31+$0xB0]  }
0x7f: {  	v1 =	vld [tilespmem:s31+$0xFFFFFF10]  }
0x80: {  	v2 =	vld [tilespmem:s31+$0xFFFFFF20]  }
0x81: {  	v3 =	vld [tilespmem:s31+$0xFFFFFF30]  }
0x82: {  	v4 =	vld [tilespmem:s31+$0xFFFFFF80]  }
0x83: {  	v5 =	vld [tilespmem:s31+$0xFFFFFF90];
	v0 =	vmul.f32 $8.000000000e+00, v0  }
0x84: {  	v6 =	vld [tilespmem:s31+$0xFFFFFFA0];
	v1 =	vmul.f32 $8.000000000e+00, v1  }
0x85: {  	v7 =	vld [tilespmem:s31+$0xFFFFFFB0];
	v2 =	vmul.f32 $8.000000000e+00, v2;
	[tilespmem:s31+$0xB0] =	vst v0  }
0x86: {  	[tilespmem:s31+$0xFFFFFF10] =	vst v1;
	v0 =	vmul.f32 $8.000000000e+00, v3;
	v3 =	vld [tilespmem:s31+$0x0]  }
0x87: {  	[tilespmem:s31+$0xFFFFFF20] =	vst v2;
	v1 =	vmul.f32 $8.000000000e+00, v4;
	v4 =	vld [tilespmem:s31+$0x10]  }
0x88: {  	v8 =	vld [tilespmem:s31+$0x20];
	v2 =	vmul.f32 $8.000000000e+00, v5;
	[tilespmem:s31+$0xFFFFFF30] =	vst v0  }
0x89: {  	v5 =	vmul.f32 $8.000000000e+00, v6;
	[tilespmem:s31+$0xFFFFFF80] =	vst v1;
	v0 =	vld [tilespmem:s31+$0x30]  }
0x8a: {  	v6 =	vmul.f32 $8.000000000e+00, v7;
	[tilespmem:s31+$0xFFFFFF90] =	vst v2;
	v1 =	vld [tilespmem:s31+$0x80]  }
0x8b: {  	[tilespmem:s31+$0xFFFFFFA0] =	vst v5;
	v2 =	vld [tilespmem:s31+$0x90];
	v7 =	vmul.f32 $8.000000000e+00, v3  }
0x8c: {  	[tilespmem:s31+$0xFFFFFFB0] =	vst v6;
	v3 =	vld [tilespmem:s31+$0xA0];
	v5 =	vmul.f32 $8.000000000e+00, v4  }
0x8d: {  	s1 =	simm.s32 $0x0;
	s0 =	simm.s32 $0x12F00;
	v6 =	vmul.f32 $8.000000000e+00, v8;
	v4 =	vld [tilespmem:s31+$0xFFFFFF00];
	[tilespmem:s31+$0x0] =	vst v7  }
.LBB2_7:
0x8e: {  	v7 =	vld [tilespmem:s0+$0xB0];
	s1 =	sadd.s32 $0x4, s1;
	[tilespmem:s31+$0x10] =	vst v5;
	v0 =	vmul.f32 $8.000000000e+00, v0  }
0x8f: {  	v5 =	vld [tilespmem:s0+$0xFFFFFF10];
	p1 =	slt.u32 s1, $0xC4;
	[tilespmem:s31+$0x20] =	vst v6;
	v1 =	vmul.f32 $8.000000000e+00, v1  }
0x90: {  	v6 =	vld [tilespmem:s0+$0xFFFFFF20];
	[tilespmem:s31+$0x30] =	vst v0;
	v0 =	vmul.f32 $8.000000000e+00, v2  }
0x91: {  	v2 =	vld [tilespmem:s0+$0xFFFFFF30];
	[tilespmem:s31+$0x80] =	vst v1;
	v1 =	vmul.f32 $8.000000000e+00, v3  }
0x92: {  	v3 =	vld [tilespmem:s0+$0xFFFFFF80];
	v4 =	vmul.f32 $8.000000000e+00, v4;
	[tilespmem:s31+$0x90] =	vst v0  }
0x93: {  	v0 =	vld [tilespmem:s0+$0xFFFFFF90];
	v7 =	vmul.f32 $8.000000000e+00, v7;
	[tilespmem:s31+$0xA0] =	vst v1  }
0x94: {  	v1 =	vmul.f32 $8.000000000e+00, v5;
	v5 =	vld [tilespmem:s0+$0xFFFFFFA0];
	[tilespmem:s31+$0xFFFFFF00] =	vst v4;
	s31 =	smov.u32 s0  }
0x95: {  	v4 =	vmul.f32 $8.000000000e+00, v6;
	v6 =	vld [tilespmem:s0+$0xFFFFFFB0];
	[tilespmem:s0+$0xB0] =	vst v7  }
0x96: {  	[tilespmem:s0+$0xFFFFFF10] =	vst v1;
	v1 =	vmul.f32 $8.000000000e+00, v2;
	v2 =	vld [tilespmem:s0+$0x0]  }
0x97: {  	[tilespmem:s0+$0xFFFFFF20] =	vst v4;
	v3 =	vmul.f32 $8.000000000e+00, v3;
	v4 =	vld [tilespmem:s0+$0x10]  }
0x98: {  	[tilespmem:s0+$0xFFFFFF30] =	vst v1;
	v1 =	vmul.f32 $8.000000000e+00, v0;
	v7 =	vld [tilespmem:s0+$0x20]  }
.Ltmp2:
0x99: {  	[tilespmem:s0+$0xFFFFFF80] =	vst v3;
	v3 =	vmul.f32 $8.000000000e+00, v5;
	v0 =	vld [tilespmem:s0+$0x30];
	(pc) =	sbr.rel @p1 .LBB2_7-.Ltmp2, $4  }
0x9a: {  	[tilespmem:s0+$0xFFFFFF90] =	vst v1;
	v5 =	vmul.f32 $8.000000000e+00, v6;
	v1 =	vld [tilespmem:s0+$0x80]  }
0x9b: {  	[tilespmem:s0+$0xFFFFFFA0] =	vst v3;
	v6 =	vmul.f32 $8.000000000e+00, v2;
	v2 =	vld [tilespmem:s0+$0x90]  }
0x9c: {  	[tilespmem:s0+$0xFFFFFFB0] =	vst v5;
	v5 =	vmul.f32 $8.000000000e+00, v4;
	v3 =	vld [tilespmem:s0+$0xA0]  }
0x9d: {  	s0 =	sadd.s32 $0x200, s0;
	v4 =	vld [tilespmem:s31+$0xFFFFFF00];
	[tilespmem:s31+$0x0] =	vst v6;
	v6 =	vmul.f32 $8.000000000e+00, v7  }
0x9e: {  	[tilespmem:s31+$0x10] =	vst v5;
	v0 =	vmul.f32 $8.000000000e+00, v0  }
0x9f: {  	[tilespmem:s31+$0x20] =	vst v6;
	v1 =	vmul.f32 $8.000000000e+00, v1  }
0xa0: {  	[tilespmem:s31+$0x30] =	vst v0;
	v0 =	vmul.f32 $8.000000000e+00, v2  }
0xa1: {  	[tilespmem:s31+$0x80] =	vst v1;
	v1 =	vmul.f32 $8.000000000e+00, v3  }
0xa2: {  	s0 =	sadd.s32 s29, s8;
	v2 =	vmul.f32 $8.000000000e+00, v4;
	[tilespmem:s31+$0x90] =	vst v0  }
0xa3: {  	s0 =	sshll.u32 s0, $0x4;
	[tilespmem:s31+$0xA0] =	vst v1  }
0xa4: {  	s0 =	sadd.s32 s5, s0;
	[tilespmem:s31+$0xFFFFFF00] =	vst v2  }
0xa5: {  	[hbm4b:s0+s2] =	stream.linear.scatter [tilespmem:s15], [sflag:$0x7], $0x6400, $0x38;
	[tilespmem:$0x1F400] =	vst v63  }
0xa6: {  	_ =	swait.ge [sflag:s20], $0x6400  }
0xa7: {  	[sflag:s20] =	ssyncset.done $0x0  }
0xa8: {  	s0 =	simm.s32 @!p0 $0x7;
	[sflag:s20] =	ssyncadd.s32 $0xFFFF9C00  }
0xa9: {  	_ =	swait.ge @!p0 [sflag:s0], $0x6400  }
0xaa: {  	s1 =	simm.s32 @!p0 $0xC8;
	[sflag:s0] =	ssyncset.done @!p0 $0x0  }
0xab: {  	s29 =	simm.s32 @!p0 $0x12C00;
	[sflag:s0] =	ssyncadd.s32 @!p0 $0xFFFF9C00;
	s0 =	sadd.s32 @!p0 $0x4B0, s30  }
0xac: {  	[tilespmem:s29], [sflag:$0x3] =	stream.indirect.gather @!p0 [hbm4b:s4+s1], $0x80, s0, s1, $0xb8;
	[tilespmem:$0x1F400] =	vst v63  }
0xad: {  	s29 =	simm.s32 $0x19100  }
0xae: {  	v0 =	vld [tilespmem:s29+$0xB0]  }
0xaf: {  	v1 =	vld [tilespmem:s29+$0xFFFFFF10]  }
0xb0: {  	v2 =	vld [tilespmem:s29+$0xFFFFFF20]  }
0xb1: {  	v3 =	vld [tilespmem:s29+$0xFFFFFF30]  }
0xb2: {  	v4 =	vld [tilespmem:s29+$0xFFFFFF80]  }
0xb3: {  	v5 =	vld [tilespmem:s29+$0xFFFFFF90];
	v0 =	vmul.f32 $8.000000000e+00, v0  }
0xb4: {  	v6 =	vld [tilespmem:s29+$0xFFFFFFA0];
	v1 =	vmul.f32 $8.000000000e+00, v1  }
0xb5: {  	v7 =	vld [tilespmem:s29+$0xFFFFFFB0];
	v2 =	vmul.f32 $8.000000000e+00, v2;
	[tilespmem:s29+$0xB0] =	vst v0  }
0xb6: {  	[tilespmem:s29+$0xFFFFFF10] =	vst v1;
	v0 =	vmul.f32 $8.000000000e+00, v3;
	v3 =	vld [tilespmem:s29+$0x0]  }
0xb7: {  	[tilespmem:s29+$0xFFFFFF20] =	vst v2;
	v1 =	vmul.f32 $8.000000000e+00, v4;
	v4 =	vld [tilespmem:s29+$0x10]  }
0xb8: {  	v8 =	vld [tilespmem:s29+$0x20];
	v2 =	vmul.f32 $8.000000000e+00, v5;
	[tilespmem:s29+$0xFFFFFF30] =	vst v0  }
0xb9: {  	v5 =	vmul.f32 $8.000000000e+00, v6;
	[tilespmem:s29+$0xFFFFFF80] =	vst v1;
	v0 =	vld [tilespmem:s29+$0x30]  }
0xba: {  	[tilespmem:s29+$0xFFFFFF90] =	vst v2;
	v2 =	vmul.f32 $8.000000000e+00, v7;
	v1 =	vld [tilespmem:s29+$0x80]  }
0xbb: {  	[tilespmem:s29+$0xFFFFFFA0] =	vst v5;
	v6 =	vmul.f32 $8.000000000e+00, v3;
	v3 =	vld [tilespmem:s29+$0x90]  }
0xbc: {  	[tilespmem:s29+$0xFFFFFFB0] =	vst v2;
	v2 =	vld [tilespmem:s29+$0xA0];
	v5 =	vmul.f32 $8.000000000e+00, v4  }
0xbd: {  	s1 =	simm.s32 $0x0;
	s0 =	simm.s32 $0x19300;
	v4 =	vld [tilespmem:s29+$0xFFFFFF00];
	[tilespmem:s29+$0x0] =	vst v6;
	v6 =	vmul.f32 $8.000000000e+00, v8  }
.LBB2_9:
0xbe: {  	v7 =	vld [tilespmem:s0+$0xB0];
	s1 =	sadd.s32 $0x4, s1;
	[tilespmem:s29+$0x10] =	vst v5;
	v0 =	vmul.f32 $8.000000000e+00, v0  }
0xbf: {  	v5 =	vld [tilespmem:s0+$0xFFFFFF10];
	p0 =	slt.u32 s1, $0xC4;
	[tilespmem:s29+$0x20] =	vst v6;
	v1 =	vmul.f32 $8.000000000e+00, v1  }
0xc0: {  	v6 =	vld [tilespmem:s0+$0xFFFFFF20];
	[tilespmem:s29+$0x30] =	vst v0;
	v0 =	vmul.f32 $8.000000000e+00, v3  }
0xc1: {  	v3 =	vld [tilespmem:s0+$0xFFFFFF30];
	[tilespmem:s29+$0x80] =	vst v1;
	v1 =	vmul.f32 $8.000000000e+00, v2  }
0xc2: {  	v2 =	vld [tilespmem:s0+$0xFFFFFF80];
	v4 =	vmul.f32 $8.000000000e+00, v4;
	[tilespmem:s29+$0x90] =	vst v0  }
0xc3: {  	v0 =	vld [tilespmem:s0+$0xFFFFFF90];
	v7 =	vmul.f32 $8.000000000e+00, v7;
	[tilespmem:s29+$0xA0] =	vst v1  }
0xc4: {  	v1 =	vmul.f32 $8.000000000e+00, v5;
	v5 =	vld [tilespmem:s0+$0xFFFFFFA0];
	[tilespmem:s29+$0xFFFFFF00] =	vst v4;
	s29 =	smov.u32 s0  }
0xc5: {  	v4 =	vmul.f32 $8.000000000e+00, v6;
	v6 =	vld [tilespmem:s0+$0xFFFFFFB0];
	[tilespmem:s0+$0xB0] =	vst v7  }
0xc6: {  	[tilespmem:s0+$0xFFFFFF10] =	vst v1;
	v1 =	vmul.f32 $8.000000000e+00, v3;
	v3 =	vld [tilespmem:s0+$0x0]  }
0xc7: {  	[tilespmem:s0+$0xFFFFFF20] =	vst v4;
	v2 =	vmul.f32 $8.000000000e+00, v2;
	v4 =	vld [tilespmem:s0+$0x10]  }
0xc8: {  	[tilespmem:s0+$0xFFFFFF30] =	vst v1;
	v1 =	vmul.f32 $8.000000000e+00, v0;
	v7 =	vld [tilespmem:s0+$0x20]  }
.Ltmp3:
0xc9: {  	[tilespmem:s0+$0xFFFFFF80] =	vst v2;
	v2 =	vmul.f32 $8.000000000e+00, v5;
	v0 =	vld [tilespmem:s0+$0x30];
	(pc) =	sbr.rel @p0 .LBB2_9-.Ltmp3, $4  }
0xca: {  	[tilespmem:s0+$0xFFFFFF90] =	vst v1;
	v5 =	vmul.f32 $8.000000000e+00, v6;
	v1 =	vld [tilespmem:s0+$0x80]  }
0xcb: {  	[tilespmem:s0+$0xFFFFFFA0] =	vst v2;
	v6 =	vmul.f32 $8.000000000e+00, v3;
	v3 =	vld [tilespmem:s0+$0x90]  }
0xcc: {  	[tilespmem:s0+$0xFFFFFFB0] =	vst v5;
	v5 =	vmul.f32 $8.000000000e+00, v4;
	v2 =	vld [tilespmem:s0+$0xA0]  }
0xcd: {  	s0 =	sadd.s32 $0x200, s0;
	v4 =	vld [tilespmem:s29+$0xFFFFFF00];
	[tilespmem:s29+$0x0] =	vst v6;
	v6 =	vmul.f32 $8.000000000e+00, v7  }
0xce: {  	[tilespmem:s29+$0x10] =	vst v5;
	v0 =	vmul.f32 $8.000000000e+00, v0  }
0xcf: {  	s26 =	sadd.s32 $0x1, s26;
	[tilespmem:s29+$0x20] =	vst v6;
	v1 =	vmul.f32 $8.000000000e+00, v1  }
0xd0: {  	s0 =	smul.u32 $0xC8, s28;
	p0 =	sne.s32 s26, $0x20;
	[tilespmem:s29+$0x30] =	vst v0;
	v61 =	vmul.f32 $8.000000000e+00, v3  }
.Ltmp4:
0xd1: {  	[tilespmem:s29+$0x80] =	vst v1;
	v62 =	vmul.f32 $8.000000000e+00, v2;
	(pc) =	sbr.rel @p0 .LBB2_2-.Ltmp4, $4  }
0xd2: {  	s0 =	sadd.s32 s3, s0;
	v63 =	vmul.f32 $8.000000000e+00, v4;
	[tilespmem:s29+$0x90] =	vst v61  }
0xd3: {  	s0 =	sshll.u32 s0, $0x4;
	[tilespmem:s29+$0xA0] =	vst v62  }
0xd4: {  	s0 =	sadd.s32 s5, s0;
	[tilespmem:s29+$0xFFFFFF00] =	vst v63  }
0xd5: {  	[hbm4b:s0+s2] =	stream.linear.scatter [tilespmem:s17], [sflag:$0x8], $0x6400, $0x38;
	[tilespmem:$0x1F400] =	vst v63  }
0xd6: {  	_ =	swait.ge [sflag:s21], $0x6400  }
0xd7: {  	[sflag:s21] =	ssyncset.done $0x0  }
0xd8: {  	[sflag:s21] =	ssyncadd.s32 $0xFFFF9C00  }
0xd9: {  	_ =	swait.ge [sflag:s22], $0x6400  }
0xda: {  	[sflag:s22] =	ssyncset.done $0x0  }
0xdb: {  	s25 =	sadd.s32 $0x1, s25;
	[sflag:s22] =	ssyncadd.s32 $0xFFFF9C00  }
0xdc: {  	p0 =	sne.s32 s25, s9;
	_ =	swait.ge [sflag:s23], $0x6400  }
.Ltmp5:
0xdd: {  	[sflag:s23] =	ssyncset.done $0x0;
	(pc) =	sbr.rel @p0 .LBB2_1-.Ltmp5, $4  }
0xde: {  	[sflag:s23] =	ssyncadd.s32 $0xFFFF9C00  }
0xdf: {  	_ =	swait.ge [sflag:s24], $0x6400  }
0xe0: {  	[sflag:s24] =	ssyncset.done $0x0  }
0xe1: {  	[sflag:s24] =	ssyncadd.s32 $0xFFFF9C00  }
0xe2: {  	_ =	sfence.sel $0x180000  }
0xe3: {  	[bflag:$0x0] =	sbarrier.arrive $0xFFFF  }
0xe4: {  	_ =	strace $0x90000047  }
0xe5: {  	s0 =	stileid.u32;
	[bflag:$0x2] =	sbarrier.arrive $0xFFFF  }
0xe6: {  	p0 =	sne.s32 s0, $0x0;
	s0 =	rddreg [dreg:$0x2]  }
0xe7: {  	s0 =	sadd.s32 @!p0 $0x100000, s0  }
0xe8: {  	[sflag:s0] =	ssyncadd.tile.s32 @!p0 $0x1;
	_ =	shalt  }
.Lfunc_end2:
_tile_overlayer_lowered:
.L_overlay_start_2:
0xe9: {  	(tag) =	ssettag $0x2  }
0xea: {  	s0 =	rddreg [dreg:$0x0];
	s2 =	stileid.u32  }
0xeb: {  	s1 =	rddreg [dreg:$0x1];
	p0 =	sne.s32 s2, $0x0  }
0xec: {  	s3 =	rddreg [dreg:$0x2];
	[bflag:$0x3] =	sbarrier.arrive $0xFFFF;
	s2 =	simm.s32 @!p0 $0x1C09  }
0xed: {  	[timem:s3], [sflag:s2] =	dma.local @!p0 [hbm:s0], s1  }
0xee: {  	s0 =	simm.s32 @!p0 $0x9  }
0xef: {  	_ =	swait.ge @!p0 [sflag:s0], s1  }
0xf0: {  	s1 =	ssub.s32 @!p0 $0x0, s1;
	[sflag:s0] =	ssyncset.done @!p0 $0x0  }
0xf1: {  	[sflag:s0] =	ssyncadd.s32 @!p0 s1  }
0xf2: {  	[bflag:$0x3] =	sbarrier.arrive $0xFFFF  }
0xf3: {  	_ =	shalt  }

// kernel: sparse-core-data-format-call.cloned.1.call-start
scs
called_computation_lowered:
.L_overlay_start_0:
0x0: {  	s2 =	sld [smem:$0x3FD9]  }
0x1: {  	s3 =	sld [smem:$0x3FFE];
	_ =	sdelay $0x1  }
0x2: {  	s1 =	srdreg.scid  }
0x3: {  	s0 =	sand.u32 $0x1, s1  }
0x4: {  	s18 =	sshll.u32 s0, $0xA;
	s2 =	sadd.s32 s3, s2  }
0x5: {  	s2 =	sadd.s32 s2, s18  }
0x6: {  	[smem:$0x3FC6] =	sst s2  }
0x7: {  	_ = 	snop  }
0x8: {  	s2 =	sld [smem:$0x3FD0];
	(tm) =	ssettm $0x1  }
0x9: {  	s19 =	sld [smem:$0x3FFB];
	_ =	sdelay $0x3  }
0xa: {  	_ =	strace s19  }
0xb: {  	s3 =	sld [smem:$0x3FFC];
	_ =	sdelay $0x3  }
0xc: {  	_ =	strace s3  }
0xd: {  	s3 =	sld [smem:$0x3FFD];
	_ =	sdelay $0x3  }
0xe: {  	_ =	strace s3  }
0xf: {  	_ =	strace $0x8FFFFFFF  }
0x10: {  	s20 =	sld [smem:$0x3FDB];
	_ =	sdelay $0x1  }
0x11: {  	s4 =	simm.s32 $_scs_section_size  }
0x12: {  	s5 =	simm.s32 $_size__tile_overlayer_lowered;
	s6 =	simm.s32 $_tile_overlayer_lowered  }
0x13: {  	s23 =	simm.s32 $0x1BFF;
	s22 =	sshll.u32 s6, $0x1;
	s3 =	sadd.s32 s4, s20  }
0x14: {  	s7 =	simm.s32 $0x0;
	s21 =	sshll.u32 s5, $0x1;
	s5 =	sadd.s32 s22, s3  }
0x15: {  	[timem:s7], [sflag:s23] =	dma.local [hbm:s5], s21  }
0x16: {  	_ =	swait.ge [sflag:s23], s21  }
0x17: {  	s4 =	ssub.s32 $0x0, s21;
	[sflag:s23] =	ssyncset.done $0x0  }
0x18: {  	[sflag:s23] =	ssyncadd.s32 s4;
	_ =	sdelay $0x1  }
0x19: {  	s24 =	simm.s32 $0x1B8B  }
0x1a: {  	_ =	swait.ge [sflag:s24], $0x1  }
0x1b: {  	[sflag:s24] =	ssyncset.done $0x0  }
0x1c: {  	s26 =	simm.s32 $0x1B8E;
	s25 =	sld [smem:$0x3FFE];
	[sflag:s24] =	ssyncadd.s32 $0xFFFFFFFF  }
0x1d: {  	s27 =	simm.s32 $execute0_lowered;
	[smem:$0x3FD2] =	sst s26  }
0x1e: {  	s5 =	sshll.u32 s27, $0x1;
	_ =	strace $0x80000049;
	[dreg:$0x1] =	wrdreg $0xFFFFFFFF  }
0x1f: {  	s28 =	simm.s32 $_size_execute0_lowered;
	s3 =	sadd.s32 s3, s5;
	[dreg:$0x0] =	wrdreg $0x0  }
0x20: {  	s5 =	sshll.u32 s28, $0x1;
	[dreg:$0x2] =	wrdreg s3  }
0x21: {  	[dreg:$0x3] =	wrdreg s5  }
0x22: {  	[dreg:$0x4] =	wrdreg $0xC0  }
0x23: {  	_ =	task [dreg:s7], $0x5FFFF  }
0x24: {  	[dreg:$0x1] =	wrdreg $0xFFFFFFFF  }
0x25: {  	[dreg:$0x0] =	wrdreg $0x60  }
0x26: {  	[dreg:$0x2] =	wrdreg s25  }
0x27: {  	[dreg:$0x3] =	wrdreg s2  }
0x28: {  	[dreg:$0x4] =	wrdreg $0x9  }
0x29: {  	_ =	task.clear_ibuf [dreg:s7], $0x5FFFF;
	_ =	strace $0x90000049  }
0x2a: {  	s29 =	simm.s32 $0x9;
	_ =	strace $0x8000004B  }
0x2b: {  	_ =	swait.ge [sflag:s29], $0x1  }
0x2c: {  	[sflag:s29] =	ssyncadd.s32 $0xFFFFFFFF  }
0x2d: {  	_ =	strace $0x9000004B  }
0x2e: {  	_ =	sfence  }
0x2f: {  	s30 =	sld [smem:$0x0];
	_ =	sdelay $0x2  }
0x30: {  	s31 =	sshll.u32 s1, $0xD;
	s1 =	sshrl.u32 s1, $0x2  }
0x31: {  	s3 =	sand.u32 $0x4000, s31;
	s1 =	sadd.s32 s1, s30  }
0x32: {  	s0 =	sor.u32 s3, s0;
	s1 =	sshll.u32 s1, $0x11  }
0x33: {  	s0 =	sor.u32 s1, s0  }
0x34: {  	s0 =	sadd.s32 $0x8F2B, s0  }
0x35: {  	[sflag:s0] =	ssyncadd.remote.s32 $0x1  }
0x36: {  	_ =	sfence.sel $0xFFFF  }
0x37: {  	[dreg:$0x0] =	wrdreg $0xFFFFFFFF;
	(pc) =	sbr.abs _section_cstart, $3  }
0x38: {  	[dreg:$0x1] =	wrdreg $0xFFFFFFFF  }
0x39: {  	_ =	task.clear_ibuf [dreg:s7], $0x2FFFF;
	_ =	strace $0x9FFFFFFF  }
0x3a: {  	(tm) =	ssettm $0x7FFFFFFF  }
0x3b: {  	_ =	shalt  }
tec
execute0_lowered:
.L_overlay_start_1:
0x0: {  	(tag) =	ssettag $0x1  }
0x1: {  	s0 =	srdreg.scid  }
0x2: {  	s1 =	sshll.u32 s0, $0x4  }
0x3: {  	s0 =	stileid.u32;
	s1 =	sand.u32 $0x10, s1  }
0x4: {  	s1 =	sor.u32 s0, s1  }
0x5: {  	s6 =	rddreg [dreg:$0x0];
	s4 =	simm.s32 $0x1;
	s2 =	sshll.u32 s1, $0x7  }
0x6: {  	s7 =	simm.s32 $0x2;
	s12 =	simm.s32 $0x0;
	s1 =	ssub.s32 $0x1000, s2  }
0x7: {  	s8 =	simm.s32 $0x8000;
	s13 =	simm.s32 $0x0;
	s3 =	sand.u32 $0xF80, s1  }
0x8: {  	s9 =	simm.s32 $0x0;
	s5 =	sshrl.u32 s1, $0xC;
	p0 =	sne.s32 s3, $0x0  }
.Ltmp0:
0x9: {  	s1 =	rddreg [dreg:$0x2];
	s4 =	simm.s32 @!p0 $0x0;
	(pc) =	sbr.rel .LBB1_1-.Ltmp0, $4  }
0xa: {  	s11 =	simm.s32 $0x0;
	s3 =	rddreg [dreg:$0x1];
	s5 =	sadd.s32 s4, s5  }
0xb: {  	_ =	strace $0x8000004A;
	s4 =	simm.s32 $0x1;
	s5 =	smul.u32 $0xC8, s5  }
0xc: {  	s6 =	sadd.s32 $0x800, s6;
	s10 =	smov.u32 s2;
	[sflag:s4] =	ssyncpa.u1 $0x0  }
0xd: {  	p0 =	por $0x0, $0x0;
	[sflag:s7] =	ssyncpa.u1 $0x0;
	s7 =	sor.u32 $0x1, s5  }
.LBB1_4:
0xe: {  	s16 =	sshll.u32 s13, $0x3;
	s17 =	sand.u32 $0x78, s13  }
0xf: {  	s30 =	sand.u32 $0x7E00, s13;
	s12 =	sshll.u32 s12, $0xF;
	s16 =	sand.u32 $0xC00, s16  }
0x10: {  	[tilespmem:s15+$0x810 ss:$0x81] =	vst.msk $0xffff, v2;
	s31 =	sand.u32 $0x7, s13;
	s16 =	sor.u32 s17, s16;
	s17 =	sadd.s32 s3, s30  }
0x11: {  	[tilespmem:s15+$0x1020 ss:$0x81] =	vst.msk $0xffff, v0;
	s13 =	sshll.u32 s31, $0x12;
	s12 =	sadd.s32 s12, s17;
	s16 =	sshrl.u32 s16, $0x3  }
0x12: {  	[tilespmem:s15+$0x0 ss:$0x81] =	vst.msk $0xffff, v1;
	s13 =	sor.u32 $0x400, s13;
	s12 =	sadd.s32 s16, s12  }
0x13: {  	[hbm4b:s12+s13] =	stream.strided.scatter [tilespmem:s14], [sflag:$0x2], $0x2000, s8, s13, $0x20;
	[tilespmem:$0x8080] =	vst v63  }
.LBB1_5:
0x14: {  	s14 =	sadd.s32 $0x1, s9  }
0x15: {  	s12 =	sadd.s32 $0x1000, s10;
	s16 =	smov.u32 s10;
	p2 =	sgt.s32 s14, $0xC7  }
0x16: {  	s16 =	smov.u32 @p2 s12  }
0x17: {  	s14 =	simm.s32 @p2 $0x0;
	p2 =	sgt.s32 s16, $0xFFF  }
0x18: {  	s16 =	smov.u32 @p2 s2;
	p2 =	sne.s32 s11, s7  }
.Ltmp1:
0x19: {  	p1 =	slt.u32 s11, $0x2;
	(pc) =	sbr.rel @!p2 .LBB1_6-.Ltmp1, $4  }
0x1a: {  	s15 =	simm.s32 @!p1 $0x2  }
0x1b: {  	s13 =	smov.u32 s10;
	p0 =	por !p0, !p0;
	_ =	swait.ge @!p1 [sflag:s15], $0x2000  }
0x1c: {  	s12 =	smov.u32 s9;
	[sflag:s15] =	ssyncset.done @!p1 $0x0;
	s9 =	smov.u32 s14  }
0x1d: {  	s11 =	sadd.s32 $0x1, s11;
	[sflag:s15] =	ssyncadd.s32 @!p1 $0xFFFFE000;
	s10 =	smov.u32 s16  }
.LBB1_1:
0x1e: {  	p1 =	sge.u32 s11, s5  }
0x1f: {  	s14 =	sand.u32 @!p1 $0x1FFFFFF, s9  }
0x20: {  	s15 =	smulhi.u32 @!p1 $0x147AE15, s14;
	_ =	sdelay $0x1  }
0x21: {  	s15 =	smul.u32 @!p1 $0xC8, s15  }
0x22: {  	s16 =	sxor.u32 @!p1 $0xFFFFFFFF, s11;
	s17 =	smul.u32 @!p1 $0xC80, s10  }
0x23: {  	s31 =	sadd.s32 $0xFFFFFFFF, s11;
	s16 =	sshll.u32 @!p1 s16, $0xD;
	s14 =	ssub.s32 @!p1 s14, s15  }
0x24: {  	s15 =	sand.u32 @!p1 $0x2000, s16;
	s16 =	sadd.s32 @!p1 s6, s17;
	s14 =	sshll.u32 @!p1 s14, $0x4  }
0x25: {  	s17 =	simm.s32 @!p1 $0x6400;
	s14 =	sadd.s32 @!p1 s14, s16;
	s16 =	simm.s32 @!p1 $0x40  }
0x26: {  	[tilespmem:s15], [sflag:$0x1] =	stream.strided.gather @!p1 [hbm4b:s14+s16], $0x2000, s17, s16, $0x38;
	[tilespmem:$0x8080] =	vst v63  }
0x27: {  	p1 =	sge.u32 s31, s5  }
.Ltmp2:
0x28: {  	_ = 	snop;
	(pc) =	sbr.rel @p1 .LBB1_5-.Ltmp2, $1  }
0x29: {  	_ =	sdelay $0x3  }
0x2a: {  	s14 =	simm.s32 $0x1  }
0x2b: {  	_ =	swait.ge [sflag:s4], $0x2000;
	s14 =	simm.s32 @!p0 $0x0  }
0x2c: {  	[sflag:s4] =	ssyncset.done $0x0;
	s15 =	sshll.u32 s14, $0xD  }
0x2d: {  	[sflag:s4] =	ssyncadd.s32 $0xFFFFE000;
	s18 =	sor.u32 $0x20, s15  }
0x2e: {  	s14 =	smul.u32 $0x8100, s14;
	v3 =	vld [tilespmem:s18+$0x10]  }
0x2f: {  	s30 =	sand.u32 $0x1, s11;
	v2 =	vld [tilespmem:s18+$0xFFFFFFF0]  }
0x30: {  	s15 =	smul.u32 $0x8100, s30;
	s14 =	sshrl.u32 s14, $0x2;
	v0 =	vld [tilespmem:s18+$0x0]  }
0x31: {  	v1 =	vld [tilespmem:s18+$0xFFFFFFE0];
	s16 =	sor.u32 $0x4000, s14  }
0x32: {  	s31 =	sshrl.u32 s15, $0x2;
	s15 =	sadd.s32 $0x0, s16  }
0x33: {  	s17 =	simm.s32 $0x4;
	s18 =	sadd.s32 $0x40, s18;
	s14 =	sor.u32 $0x4000, s31;
	[tilespmem:s15+$0x1830 ss:$0x81] =	vst.msk $0xffff, v3  }
.LBB1_3:
0x34: {  	v3 =	vld [tilespmem:s18+$0x10];
	p1 =	sne.s32 s17, $0x1FC;
	[tilespmem:s15+$0x810 ss:$0x81] =	vst.msk $0xffff, v2;
	s19 =	smov.u32 s17;
	s17 =	sadd.s32 $0x4, s17  }
.Ltmp3:
0x35: {  	v2 =	vld [tilespmem:s18+$0xFFFFFFF0];
	[tilespmem:s15+$0x1020 ss:$0x81] =	vst.msk $0xffff, v0;
	(pc) =	sbr.rel @p1 .LBB1_3-.Ltmp3, $4  }
0x36: {  	v0 =	vld [tilespmem:s18+$0x0];
	[tilespmem:s15+$0x0 ss:$0x81] =	vst.msk $0xffff, v1  }
0x37: {  	s15 =	sshra.s32 s19, $0x2;
	v1 =	vld [tilespmem:s18+$0xFFFFFFE0]  }
0x38: {  	s15 =	sadd.s32 s15, s16  }
0x39: {  	s18 =	sadd.s32 $0x40, s18;
	[tilespmem:s15+$0x1830 ss:$0x81] =	vst.msk $0xffff, v3  }
.Ltmp4:
0x3a: {  	_ = 	snop;
	(pc) =	sbr.rel .LBB1_4-.Ltmp4, $1  }
0x3b: {  	_ =	sdelay $0x3  }
.LBB1_6:
0x3c: {  	_ =	sfence.sel $0x180000  }
0x3d: {  	s2 =	simm.s32 $0x1;
	[bflag:$0x0] =	sbarrier.arrive $0xFFFF  }
0x3e: {  	s31 =	simm.s32 $0x2;
	[sflag:s2] =	ssyncpa.u1 $0x1  }
0x3f: {  	[sflag:s31] =	ssyncpa.u1 $0x1  }
0x40: {  	p0 =	sne.s32 s0, $0x0;
	_ =	strace $0x9000004A  }
0x41: {  	s0 =	sadd.s32 @!p0 $0x100000, s1;
	[bflag:$0x2] =	sbarrier.arrive $0xFFFF  }
0x42: {  	[sflag:s0] =	ssyncadd.tile.s32 @!p0 $0x1;
	_ =	shalt  }
.Lfunc_end1:
_tile_overlayer_lowered:
.L_overlay_start_2:
0x43: {  	(tag) =	ssettag $0x2  }
0x44: {  	s0 =	rddreg [dreg:$0x0];
	s2 =	stileid.u32  }
0x45: {  	s1 =	rddreg [dreg:$0x1];
	p0 =	sne.s32 s2, $0x0  }
0x46: {  	s3 =	rddreg [dreg:$0x2];
	[bflag:$0x3] =	sbarrier.arrive $0xFFFF;
	s2 =	simm.s32 @!p0 $0x1C01  }
0x47: {  	[timem:s3], [sflag:s2] =	dma.local @!p0 [hbm:s0], s1  }
0x48: {  	s0 =	simm.s32 @!p0 $0x1  }
0x49: {  	_ =	swait.ge @!p0 [sflag:s0], s1  }
0x4a: {  	s1 =	ssub.s32 @!p0 $0x0, s1;
	[sflag:s0] =	ssyncset.done @!p0 $0x0  }
0x4b: {  	[sflag:s0] =	ssyncadd.s32 @!p0 s1  }
0x4c: {  	[bflag:$0x3] =	sbarrier.arrive $0xFFFF  }
0x4d: {  	_ =	shalt  }

</sc_bundles>
